<compile_context>
chip_gen: v7x
topology: tpu7x:2x2x1
jax: 0.10.2.dev20260603
libtpu: 0.0.44.dev20260713+nightly
codegen_flags: <defaults>
</compile_context>

<pallas_src>
import functools

import jax
import jax.numpy as jnp
from jax import lax
from jax.experimental import pallas as pl
from jax.experimental.pallas import tpu as pltpu
from jax.experimental.pallas import tpu_sc as plsc

MODEL_DIM = 1024
INPUT_LEN = 4096
BATCH = 4

_NUM_CORES = 2
_NUM_SUBCORES = 16
_NW = _NUM_CORES * _NUM_SUBCORES
_ROWS_PER_W = INPUT_LEN // _NW
_CHUNK = 32
_NCHUNK = _ROWS_PER_W // _CHUNK
_NBUF = 2


def _pe_broadcast(pe_table):
    mesh = plsc.VectorSubcoreMesh(core_axis_name="c", subcore_axis_name="s")

    @functools.partial(
        pl.kernel,
        mesh=mesh,
        out_type=jax.ShapeDtypeStruct((BATCH, INPUT_LEN, MODEL_DIM), jnp.float32),
        scratch_types=(
            [pltpu.VMEM((_CHUNK, MODEL_DIM), jnp.float32)] * _NBUF
            + [pltpu.SemaphoreType.DMA] * (2 * _NBUF)
        ),
    )
    def body(pe_hbm, out_hbm, *refs):
        bufs = refs[:_NBUF]
        rsems = refs[_NBUF:2 * _NBUF]
        wsems = refs[2 * _NBUF:3 * _NBUF]
        wid = lax.axis_index("s") * _NUM_CORES + lax.axis_index("c")
        base = wid * _ROWS_PER_W

        reads = [None] * _NBUF
        pending = {}
        for c in range(min(_NBUF, _NCHUNK)):
            reads[c] = pltpu.async_copy(
                pe_hbm.at[pl.ds(base + c * _CHUNK, _CHUNK)], bufs[c], rsems[c])
        for c in range(_NCHUNK):
            i = c % _NBUF
            reads[i].wait()
            r0 = base + c * _CHUNK
            pending[c] = [
                pltpu.async_copy(bufs[i], out_hbm.at[b, pl.ds(r0, _CHUNK)], wsems[i])
                for b in range(BATCH)
            ]
            c2 = c + 1
            if _NBUF <= c2 < _NCHUNK:
                j = c2 % _NBUF
                for w in pending.pop(c2 - _NBUF):
                    w.wait()
                reads[j] = pltpu.async_copy(
                    pe_hbm.at[pl.ds(base + c2 * _CHUNK, _CHUNK)], bufs[j], rsems[j])
        for ws in pending.values():
            for w in ws:
                w.wait()

    return body(pe_table)


def kernel(pe_table, batch_size, input_len):
    del batch_size, input_len
    return _pe_broadcast(pe_table)

# --- scband reference (transcript-rebuilt; emitter-appended) ---
"""Pipeline reference for scband-positional-encoding-76665166234075 (READ-ONLY COPY).

The authoritative reference and input builder live on the scoring server;
editing this copy changes nothing except your own understanding.
"""

import jax, jax.numpy as jnp
import numpy as np

MODEL_DIM = 1024
MAX_SEQ_LEN = 8192
BATCH_SIZE = 4
INPUT_LEN = 4096

def _build_pe_table(max_seq_len, model_dim):
    pos = np.arange(max_seq_len, dtype=np.float64)[:, None]
    j = np.arange(model_dim)[None, :]
    pe = pos / np.power(10000.0, 2.0 * (j // 2) / model_dim)
    pe[:, 0::2] = np.sin(pe[:, 0::2])
    pe[:, 1::2] = np.cos(pe[:, 1::2])
    return jnp.asarray(pe, dtype=jnp.float32)

def setup_inputs() -> dict:
    pe_table = _build_pe_table(MAX_SEQ_LEN, MODEL_DIM)
    return {"pe_table": pe_table, "batch_size": BATCH_SIZE, "input_len": INPUT_LEN}

def reference(pe_table, batch_size, input_len):
    idx_dtype = jnp.int64 if jax.config.jax_enable_x64 else jnp.int32
    zero = jnp.asarray((batch_size - batch_size) + (input_len - input_len), dtype=idx_dtype)
    input_pos = jnp.arange(INPUT_LEN, dtype=idx_dtype) + zero
    input_pos = jnp.broadcast_to(input_pos[None, :], (BATCH_SIZE, INPUT_LEN))
    return jnp.take(pe_table, input_pos, axis=0)

if __name__ == "__main__":
    import jax
    _d = setup_inputs()
    print(jax.jit(kernel)(*tuple(_d.values())))

</pallas_src>

<mosaic_0001>
#map = affine_map<(d0, d1) -> (0, 0)>
#map1 = affine_map<(d0, d1) -> (0, 0, 0)>
module attributes {stable_mosaic.version = 14 : i64} {
  func.func @body(%arg0: i32, %arg1: i32, %arg2: memref<8192x1024xf32, #tpu.memory_space<hbm>>, %arg3: memref<4x4096x1024xf32, #tpu.memory_space<hbm>>, %arg4: memref<32x1024xf32, #tpu.memory_space<vmem>>, %arg5: memref<32x1024xf32, #tpu.memory_space<vmem>>, %arg6: memref<!tpu.dma_semaphore, #tpu.memory_space<semaphore_mem>>, %arg7: memref<!tpu.dma_semaphore, #tpu.memory_space<semaphore_mem>>, %arg8: memref<!tpu.dma_semaphore, #tpu.memory_space<semaphore_mem>>, %arg9: memref<!tpu.dma_semaphore, #tpu.memory_space<semaphore_mem>>) attributes {dimension_semantics = [#tpu.dimension_semantics<core_parallel>, #tpu.dimension_semantics<subcore_parallel>], iteration_bounds = array<i64: 2, 16>, scalar_prefetch = 0 : i64, scratch_operands = 6 : i64, tpu.core_type = #tpu.core_type<sc_vector_subcore>, window_params = [{transform_indices = #map}, {transform_indices = #map1}]} {
    %mul3A = arith.constant 2 : i32
    %mul3A_0 = arith.muli %arg1, %mul3A : i32
    %add3A = arith.addi %mul3A_0, %arg0 : i32
    %mul3A_1 = arith.constant 128 : i32
    %mul3A_2 = arith.muli %add3A, %mul3A_1 : i32
    %add3A_3 = arith.constant 0 : i32
    %add3A_4 = arith.addi %mul3A_2, %add3A_3 : i32
    %dma_start3A = arith.constant 0 : i32
    %dma_start3A_5 = tpu.memref_slice %arg2[%add3A_4, %dma_start3A] : memref<8192x1024xf32, #tpu.memory_space<hbm>> -> memref<32x1024xf32, #tpu.memory_space<hbm>>
    %dma_start3A_6 = arith.constant 0 : i32
    %dma_start3A_7 = tpu.memref_slice %arg2[%add3A_4, %dma_start3A_6] : memref<8192x1024xf32, #tpu.memory_space<hbm>> -> memref<32x1024xf32, #tpu.memory_space<hbm>>
    tpu.enqueue_dma source(%dma_start3A_7 : memref<32x1024xf32, #tpu.memory_space<hbm>>) target(%arg4 : memref<32x1024xf32, #tpu.memory_space<vmem>>) target_semaphore(%arg6 : memref<!tpu.dma_semaphore, #tpu.memory_space<semaphore_mem>>)
    %add3A_8 = arith.constant 32 : i32
    %add3A_9 = arith.addi %mul3A_2, %add3A_8 : i32
    %dma_start3A_10 = arith.constant 0 : i32
    %dma_start3A_11 = tpu.memref_slice %arg2[%add3A_9, %dma_start3A_10] : memref<8192x1024xf32, #tpu.memory_space<hbm>> -> memref<32x1024xf32, #tpu.memory_space<hbm>>
    %dma_start3A_12 = arith.constant 0 : i32
    %dma_start3A_13 = tpu.memref_slice %arg2[%add3A_9, %dma_start3A_12] : memref<8192x1024xf32, #tpu.memory_space<hbm>> -> memref<32x1024xf32, #tpu.memory_space<hbm>>
    tpu.enqueue_dma source(%dma_start3A_13 : memref<32x1024xf32, #tpu.memory_space<hbm>>) target(%arg5 : memref<32x1024xf32, #tpu.memory_space<vmem>>) target_semaphore(%arg7 : memref<!tpu.dma_semaphore, #tpu.memory_space<semaphore_mem>>)
    %dma_wait3A = arith.constant 0 : i32
    %dma_wait3A_14 = tpu.memref_slice %arg2[%add3A_4, %dma_wait3A] : memref<8192x1024xf32, #tpu.memory_space<hbm>> -> memref<32x1024xf32, #tpu.memory_space<hbm>>
    %dma_wait3A_15 = arith.constant 0 : i32
    %dma_wait3A_16 = tpu.memref_slice %arg2[%add3A_4, %dma_wait3A_15] : memref<8192x1024xf32, #tpu.memory_space<hbm>> -> memref<32x1024xf32, #tpu.memory_space<hbm>>
    tpu.wait_dma2 semaphore(%arg6 : memref<!tpu.dma_semaphore, #tpu.memory_space<semaphore_mem>>) src(%dma_wait3A_16 : memref<32x1024xf32, #tpu.memory_space<hbm>>) dst(%arg4 : memref<32x1024xf32, #tpu.memory_space<vmem>>)
    %add3A_17 = arith.constant 0 : i32
    %add3A_18 = arith.addi %mul3A_2, %add3A_17 : i32
    %dma_start3A_19 = arith.constant 0 : i32
    %dma_start3A_20 = arith.constant 0 : i32
    %dma_start3A_21 = tpu.memref_slice %arg3[%dma_start3A_19, %add3A_18, %dma_start3A_20] : memref<4x4096x1024xf32, #tpu.memory_space<hbm>> -> memref<1x32x1024xf32, #tpu.memory_space<hbm>>
    %dma_start3A_22 = tpu.memref_squeeze %dma_start3A_21 : memref<1x32x1024xf32, #tpu.memory_space<hbm>> -> memref<32x1024xf32, #tpu.memory_space<hbm>>
    %dma_start3A_23 = arith.constant 0 : i32
    %dma_start3A_24 = tpu.memref_slice %arg3[%dma_start3A_19, %add3A_18, %dma_start3A_23] : memref<4x4096x1024xf32, #tpu.memory_space<hbm>> -> memref<1x32x1024xf32, #tpu.memory_space<hbm>>
    %dma_start3A_25 = tpu.memref_squeeze %dma_start3A_24 : memref<1x32x1024xf32, #tpu.memory_space<hbm>> -> memref<32x1024xf32, #tpu.memory_space<hbm>>
    tpu.enqueue_dma source(%arg4 : memref<32x1024xf32, #tpu.memory_space<vmem>>) target(%dma_start3A_25 : memref<32x1024xf32, #tpu.memory_space<hbm>>) target_semaphore(%arg8 : memref<!tpu.dma_semaphore, #tpu.memory_space<semaphore_mem>>)
    %dma_start3A_26 = arith.constant 1 : i32
    %dma_start3A_27 = arith.constant 0 : i32
    %dma_start3A_28 = tpu.memref_slice %arg3[%dma_start3A_26, %add3A_18, %dma_start3A_27] : memref<4x4096x1024xf32, #tpu.memory_space<hbm>> -> memref<1x32x1024xf32, #tpu.memory_space<hbm>>
    %dma_start3A_29 = tpu.memref_squeeze %dma_start3A_28 : memref<1x32x1024xf32, #tpu.memory_space<hbm>> -> memref<32x1024xf32, #tpu.memory_space<hbm>>
    %dma_start3A_30 = arith.constant 0 : i32
    %dma_start3A_31 = tpu.memref_slice %arg3[%dma_start3A_26, %add3A_18, %dma_start3A_30] : memref<4x4096x1024xf32, #tpu.memory_space<hbm>> -> memref<1x32x1024xf32, #tpu.memory_space<hbm>>
    %dma_start3A_32 = tpu.memref_squeeze %dma_start3A_31 : memref<1x32x1024xf32, #tpu.memory_space<hbm>> -> memref<32x1024xf32, #tpu.memory_space<hbm>>
    tpu.enqueue_dma source(%arg4 : memref<32x1024xf32, #tpu.memory_space<vmem>>) target(%dma_start3A_32 : memref<32x1024xf32, #tpu.memory_space<hbm>>) target_semaphore(%arg8 : memref<!tpu.dma_semaphore, #tpu.memory_space<semaphore_mem>>)
    %dma_start3A_33 = arith.constant 2 : i32
    %dma_start3A_34 = arith.constant 0 : i32
    %dma_start3A_35 = tpu.memref_slice %arg3[%dma_start3A_33, %add3A_18, %dma_start3A_34] : memref<4x4096x1024xf32, #tpu.memory_space<hbm>> -> memref<1x32x1024xf32, #tpu.memory_space<hbm>>
    %dma_start3A_36 = tpu.memref_squeeze %dma_start3A_35 : memref<1x32x1024xf32, #tpu.memory_space<hbm>> -> memref<32x1024xf32, #tpu.memory_space<hbm>>
    %dma_start3A_37 = arith.constant 0 : i32
    %dma_start3A_38 = tpu.memref_slice %arg3[%dma_start3A_33, %add3A_18, %dma_start3A_37] : memref<4x4096x1024xf32, #tpu.memory_space<hbm>> -> memref<1x32x1024xf32, #tpu.memory_space<hbm>>
    %dma_start3A_39 = tpu.memref_squeeze %dma_start3A_38 : memref<1x32x1024xf32, #tpu.memory_space<hbm>> -> memref<32x1024xf32, #tpu.memory_space<hbm>>
    tpu.enqueue_dma source(%arg4 : memref<32x1024xf32, #tpu.memory_space<vmem>>) target(%dma_start3A_39 : memref<32x1024xf32, #tpu.memory_space<hbm>>) target_semaphore(%arg8 : memref<!tpu.dma_semaphore, #tpu.memory_space<semaphore_mem>>)
    %dma_start3A_40 = arith.constant 3 : i32
    %dma_start3A_41 = arith.constant 0 : i32
    %dma_start3A_42 = tpu.memref_slice %arg3[%dma_start3A_40, %add3A_18, %dma_start3A_41] : memref<4x4096x1024xf32, #tpu.memory_space<hbm>> -> memref<1x32x1024xf32, #tpu.memory_space<hbm>>
    %dma_start3A_43 = tpu.memref_squeeze %dma_start3A_42 : memref<1x32x1024xf32, #tpu.memory_space<hbm>> -> memref<32x1024xf32, #tpu.memory_space<hbm>>
    %dma_start3A_44 = arith.constant 0 : i32
    %dma_start3A_45 = tpu.memref_slice %arg3[%dma_start3A_40, %add3A_18, %dma_start3A_44] : memref<4x4096x1024xf32, #tpu.memory_space<hbm>> -> memref<1x32x1024xf32, #tpu.memory_space<hbm>>
    %dma_start3A_46 = tpu.memref_squeeze %dma_start3A_45 : memref<1x32x1024xf32, #tpu.memory_space<hbm>> -> memref<32x1024xf32, #tpu.memory_space<hbm>>
    tpu.enqueue_dma source(%arg4 : memref<32x1024xf32, #tpu.memory_space<vmem>>) target(%dma_start3A_46 : memref<32x1024xf32, #tpu.memory_space<hbm>>) target_semaphore(%arg8 : memref<!tpu.dma_semaphore, #tpu.memory_space<semaphore_mem>>)
    %dma_wait3A_47 = arith.constant 0 : i32
    %dma_wait3A_48 = tpu.memref_slice %arg2[%add3A_9, %dma_wait3A_47] : memref<8192x1024xf32, #tpu.memory_space<hbm>> -> memref<32x1024xf32, #tpu.memory_space<hbm>>
    %dma_wait3A_49 = arith.constant 0 : i32
    %dma_wait3A_50 = tpu.memref_slice %arg2[%add3A_9, %dma_wait3A_49] : memref<8192x1024xf32, #tpu.memory_space<hbm>> -> memref<32x1024xf32, #tpu.memory_space<hbm>>
    tpu.wait_dma2 semaphore(%arg7 : memref<!tpu.dma_semaphore, #tpu.memory_space<semaphore_mem>>) src(%dma_wait3A_50 : memref<32x1024xf32, #tpu.memory_space<hbm>>) dst(%arg5 : memref<32x1024xf32, #tpu.memory_space<vmem>>)
    %add3A_51 = arith.constant 32 : i32
    %add3A_52 = arith.addi %mul3A_2, %add3A_51 : i32
    %dma_start3A_53 = arith.constant 0 : i32
    %dma_start3A_54 = arith.constant 0 : i32
    %dma_start3A_55 = tpu.memref_slice %arg3[%dma_start3A_53, %add3A_52, %dma_start3A_54] : memref<4x4096x1024xf32, #tpu.memory_space<hbm>> -> memref<1x32x1024xf32, #tpu.memory_space<hbm>>
    %dma_start3A_56 = tpu.memref_squeeze %dma_start3A_55 : memref<1x32x1024xf32, #tpu.memory_space<hbm>> -> memref<32x1024xf32, #tpu.memory_space<hbm>>
    %dma_start3A_57 = arith.constant 0 : i32
    %dma_start3A_58 = tpu.memref_slice %arg3[%dma_start3A_53, %add3A_52, %dma_start3A_57] : memref<4x4096x1024xf32, #tpu.memory_space<hbm>> -> memref<1x32x1024xf32, #tpu.memory_space<hbm>>
    %dma_start3A_59 = tpu.memref_squeeze %dma_start3A_58 : memref<1x32x1024xf32, #tpu.memory_space<hbm>> -> memref<32x1024xf32, #tpu.memory_space<hbm>>
    tpu.enqueue_dma source(%arg5 : memref<32x1024xf32, #tpu.memory_space<vmem>>) target(%dma_start3A_59 : memref<32x1024xf32, #tpu.memory_space<hbm>>) target_semaphore(%arg9 : memref<!tpu.dma_semaphore, #tpu.memory_space<semaphore_mem>>)
    %dma_start3A_60 = arith.constant 1 : i32
    %dma_start3A_61 = arith.constant 0 : i32
    %dma_start3A_62 = tpu.memref_slice %arg3[%dma_start3A_60, %add3A_52, %dma_start3A_61] : memref<4x4096x1024xf32, #tpu.memory_space<hbm>> -> memref<1x32x1024xf32, #tpu.memory_space<hbm>>
    %dma_start3A_63 = tpu.memref_squeeze %dma_start3A_62 : memref<1x32x1024xf32, #tpu.memory_space<hbm>> -> memref<32x1024xf32, #tpu.memory_space<hbm>>
    %dma_start3A_64 = arith.constant 0 : i32
    %dma_start3A_65 = tpu.memref_slice %arg3[%dma_start3A_60, %add3A_52, %dma_start3A_64] : memref<4x4096x1024xf32, #tpu.memory_space<hbm>> -> memref<1x32x1024xf32, #tpu.memory_space<hbm>>
    %dma_start3A_66 = tpu.memref_squeeze %dma_start3A_65 : memref<1x32x1024xf32, #tpu.memory_space<hbm>> -> memref<32x1024xf32, #tpu.memory_space<hbm>>
    tpu.enqueue_dma source(%arg5 : memref<32x1024xf32, #tpu.memory_space<vmem>>) target(%dma_start3A_66 : memref<32x1024xf32, #tpu.memory_space<hbm>>) target_semaphore(%arg9 : memref<!tpu.dma_semaphore, #tpu.memory_space<semaphore_mem>>)
    %dma_start3A_67 = arith.constant 2 : i32
    %dma_start3A_68 = arith.constant 0 : i32
    %dma_start3A_69 = tpu.memref_slice %arg3[%dma_start3A_67, %add3A_52, %dma_start3A_68] : memref<4x4096x1024xf32, #tpu.memory_space<hbm>> -> memref<1x32x1024xf32, #tpu.memory_space<hbm>>
    %dma_start3A_70 = tpu.memref_squeeze %dma_start3A_69 : memref<1x32x1024xf32, #tpu.memory_space<hbm>> -> memref<32x1024xf32, #tpu.memory_space<hbm>>
    %dma_start3A_71 = arith.constant 0 : i32
    %dma_start3A_72 = tpu.memref_slice %arg3[%dma_start3A_67, %add3A_52, %dma_start3A_71] : memref<4x4096x1024xf32, #tpu.memory_space<hbm>> -> memref<1x32x1024xf32, #tpu.memory_space<hbm>>
    %dma_start3A_73 = tpu.memref_squeeze %dma_start3A_72 : memref<1x32x1024xf32, #tpu.memory_space<hbm>> -> memref<32x1024xf32, #tpu.memory_space<hbm>>
    tpu.enqueue_dma source(%arg5 : memref<32x1024xf32, #tpu.memory_space<vmem>>) target(%dma_start3A_73 : memref<32x1024xf32, #tpu.memory_space<hbm>>) target_semaphore(%arg9 : memref<!tpu.dma_semaphore, #tpu.memory_space<semaphore_mem>>)
    %dma_start3A_74 = arith.constant 3 : i32
    %dma_start3A_75 = arith.constant 0 : i32
    %dma_start3A_76 = tpu.memref_slice %arg3[%dma_start3A_74, %add3A_52, %dma_start3A_75] : memref<4x4096x1024xf32, #tpu.memory_space<hbm>> -> memref<1x32x1024xf32, #tpu.memory_space<hbm>>
    %dma_start3A_77 = tpu.memref_squeeze %dma_start3A_76 : memref<1x32x1024xf32, #tpu.memory_space<hbm>> -> memref<32x1024xf32, #tpu.memory_space<hbm>>
    %dma_start3A_78 = arith.constant 0 : i32
    %dma_start3A_79 = tpu.memref_slice %arg3[%dma_start3A_74, %add3A_52, %dma_start3A_78] : memref<4x4096x1024xf32, #tpu.memory_space<hbm>> -> memref<1x32x1024xf32, #tpu.memory_space<hbm>>
    %dma_start3A_80 = tpu.memref_squeeze %dma_start3A_79 : memref<1x32x1024xf32, #tpu.memory_space<hbm>> -> memref<32x1024xf32, #tpu.memory_space<hbm>>
    tpu.enqueue_dma source(%arg5 : memref<32x1024xf32, #tpu.memory_space<vmem>>) target(%dma_start3A_80 : memref<32x1024xf32, #tpu.memory_space<hbm>>) target_semaphore(%arg9 : memref<!tpu.dma_semaphore, #tpu.memory_space<semaphore_mem>>)
    %dma_wait3A_81 = arith.constant 0 : i32
    %dma_wait3A_82 = arith.constant 0 : i32
    %dma_wait3A_83 = tpu.memref_slice %arg3[%dma_wait3A_81, %add3A_18, %dma_wait3A_82] : memref<4x4096x1024xf32, #tpu.memory_space<hbm>> -> memref<1x32x1024xf32, #tpu.memory_space<hbm>>
    %dma_wait3A_84 = tpu.memref_squeeze %dma_wait3A_83 : memref<1x32x1024xf32, #tpu.memory_space<hbm>> -> memref<32x1024xf32, #tpu.memory_space<hbm>>
    %dma_wait3A_85 = arith.constant 0 : i32
    %dma_wait3A_86 = tpu.memref_slice %arg3[%dma_wait3A_81, %add3A_18, %dma_wait3A_85] : memref<4x4096x1024xf32, #tpu.memory_space<hbm>> -> memref<1x32x1024xf32, #tpu.memory_space<hbm>>
    %dma_wait3A_87 = tpu.memref_squeeze %dma_wait3A_86 : memref<1x32x1024xf32, #tpu.memory_space<hbm>> -> memref<32x1024xf32, #tpu.memory_space<hbm>>
    tpu.wait_dma2 semaphore(%arg8 : memref<!tpu.dma_semaphore, #tpu.memory_space<semaphore_mem>>) src(%arg4 : memref<32x1024xf32, #tpu.memory_space<vmem>>) dst(%dma_wait3A_87 : memref<32x1024xf32, #tpu.memory_space<hbm>>)
    %dma_wait3A_88 = arith.constant 1 : i32
    %dma_wait3A_89 = arith.constant 0 : i32
    %dma_wait3A_90 = tpu.memref_slice %arg3[%dma_wait3A_88, %add3A_18, %dma_wait3A_89] : memref<4x4096x1024xf32, #tpu.memory_space<hbm>> -> memref<1x32x1024xf32, #tpu.memory_space<hbm>>
    %dma_wait3A_91 = tpu.memref_squeeze %dma_wait3A_90 : memref<1x32x1024xf32, #tpu.memory_space<hbm>> -> memref<32x1024xf32, #tpu.memory_space<hbm>>
    %dma_wait3A_92 = arith.constant 0 : i32
    %dma_wait3A_93 = tpu.memref_slice %arg3[%dma_wait3A_88, %add3A_18, %dma_wait3A_92] : memref<4x4096x1024xf32, #tpu.memory_space<hbm>> -> memref<1x32x1024xf32, #tpu.memory_space<hbm>>
    %dma_wait3A_94 = tpu.memref_squeeze %dma_wait3A_93 : memref<1x32x1024xf32, #tpu.memory_space<hbm>> -> memref<32x1024xf32, #tpu.memory_space<hbm>>
    tpu.wait_dma2 semaphore(%arg8 : memref<!tpu.dma_semaphore, #tpu.memory_space<semaphore_mem>>) src(%arg4 : memref<32x1024xf32, #tpu.memory_space<vmem>>) dst(%dma_wait3A_94 : memref<32x1024xf32, #tpu.memory_space<hbm>>)
    %dma_wait3A_95 = arith.constant 2 : i32
    %dma_wait3A_96 = arith.constant 0 : i32
    %dma_wait3A_97 = tpu.memref_slice %arg3[%dma_wait3A_95, %add3A_18, %dma_wait3A_96] : memref<4x4096x1024xf32, #tpu.memory_space<hbm>> -> memref<1x32x1024xf32, #tpu.memory_space<hbm>>
    %dma_wait3A_98 = tpu.memref_squeeze %dma_wait3A_97 : memref<1x32x1024xf32, #tpu.memory_space<hbm>> -> memref<32x1024xf32, #tpu.memory_space<hbm>>
    %dma_wait3A_99 = arith.constant 0 : i32
    %dma_wait3A_100 = tpu.memref_slice %arg3[%dma_wait3A_95, %add3A_18, %dma_wait3A_99] : memref<4x4096x1024xf32, #tpu.memory_space<hbm>> -> memref<1x32x1024xf32, #tpu.memory_space<hbm>>
    %dma_wait3A_101 = tpu.memref_squeeze %dma_wait3A_100 : memref<1x32x1024xf32, #tpu.memory_space<hbm>> -> memref<32x1024xf32, #tpu.memory_space<hbm>>
    tpu.wait_dma2 semaphore(%arg8 : memref<!tpu.dma_semaphore, #tpu.memory_space<semaphore_mem>>) src(%arg4 : memref<32x1024xf32, #tpu.memory_space<vmem>>) dst(%dma_wait3A_101 : memref<32x1024xf32, #tpu.memory_space<hbm>>)
    %dma_wait3A_102 = arith.constant 3 : i32
    %dma_wait3A_103 = arith.constant 0 : i32
    %dma_wait3A_104 = tpu.memref_slice %arg3[%dma_wait3A_102, %add3A_18, %dma_wait3A_103] : memref<4x4096x1024xf32, #tpu.memory_space<hbm>> -> memref<1x32x1024xf32, #tpu.memory_space<hbm>>
    %dma_wait3A_105 = tpu.memref_squeeze %dma_wait3A_104 : memref<1x32x1024xf32, #tpu.memory_space<hbm>> -> memref<32x1024xf32, #tpu.memory_space<hbm>>
    %dma_wait3A_106 = arith.constant 0 : i32
    %dma_wait3A_107 = tpu.memref_slice %arg3[%dma_wait3A_102, %add3A_18, %dma_wait3A_106] : memref<4x4096x1024xf32, #tpu.memory_space<hbm>> -> memref<1x32x1024xf32, #tpu.memory_space<hbm>>
    %dma_wait3A_108 = tpu.memref_squeeze %dma_wait3A_107 : memref<1x32x1024xf32, #tpu.memory_space<hbm>> -> memref<32x1024xf32, #tpu.memory_space<hbm>>
    tpu.wait_dma2 semaphore(%arg8 : memref<!tpu.dma_semaphore, #tpu.memory_space<semaphore_mem>>) src(%arg4 : memref<32x1024xf32, #tpu.memory_space<vmem>>) dst(%dma_wait3A_108 : memref<32x1024xf32, #tpu.memory_space<hbm>>)
    %add3A_109 = arith.constant 64 : i32
    %add3A_110 = arith.addi %mul3A_2, %add3A_109 : i32
    %dma_start3A_111 = arith.constant 0 : i32
    %dma_start3A_112 = tpu.memref_slice %arg2[%add3A_110, %dma_start3A_111] : memref<8192x1024xf32, #tpu.memory_space<hbm>> -> memref<32x1024xf32, #tpu.memory_space<hbm>>
    %dma_start3A_113 = arith.constant 0 : i32
    %dma_start3A_114 = tpu.memref_slice %arg2[%add3A_110, %dma_start3A_113] : memref<8192x1024xf32, #tpu.memory_space<hbm>> -> memref<32x1024xf32, #tpu.memory_space<hbm>>
    tpu.enqueue_dma source(%dma_start3A_114 : memref<32x1024xf32, #tpu.memory_space<hbm>>) target(%arg4 : memref<32x1024xf32, #tpu.memory_space<vmem>>) target_semaphore(%arg6 : memref<!tpu.dma_semaphore, #tpu.memory_space<semaphore_mem>>)
    %dma_wait3A_115 = arith.constant 0 : i32
    %dma_wait3A_116 = tpu.memref_slice %arg2[%add3A_110, %dma_wait3A_115] : memref<8192x1024xf32, #tpu.memory_space<hbm>> -> memref<32x1024xf32, #tpu.memory_space<hbm>>
    %dma_wait3A_117 = arith.constant 0 : i32
    %dma_wait3A_118 = tpu.memref_slice %arg2[%add3A_110, %dma_wait3A_117] : memref<8192x1024xf32, #tpu.memory_space<hbm>> -> memref<32x1024xf32, #tpu.memory_space<hbm>>
    tpu.wait_dma2 semaphore(%arg6 : memref<!tpu.dma_semaphore, #tpu.memory_space<semaphore_mem>>) src(%dma_wait3A_118 : memref<32x1024xf32, #tpu.memory_space<hbm>>) dst(%arg4 : memref<32x1024xf32, #tpu.memory_space<vmem>>)
    %add3A_119 = arith.constant 64 : i32
    %add3A_120 = arith.addi %mul3A_2, %add3A_119 : i32
    %dma_start3A_121 = arith.constant 0 : i32
    %dma_start3A_122 = arith.constant 0 : i32
    %dma_start3A_123 = tpu.memref_slice %arg3[%dma_start3A_121, %add3A_120, %dma_start3A_122] : memref<4x4096x1024xf32, #tpu.memory_space<hbm>> -> memref<1x32x1024xf32, #tpu.memory_space<hbm>>
    %dma_start3A_124 = tpu.memref_squeeze %dma_start3A_123 : memref<1x32x1024xf32, #tpu.memory_space<hbm>> -> memref<32x1024xf32, #tpu.memory_space<hbm>>
    %dma_start3A_125 = arith.constant 0 : i32
    %dma_start3A_126 = tpu.memref_slice %arg3[%dma_start3A_121, %add3A_120, %dma_start3A_125] : memref<4x4096x1024xf32, #tpu.memory_space<hbm>> -> memref<1x32x1024xf32, #tpu.memory_space<hbm>>
    %dma_start3A_127 = tpu.memref_squeeze %dma_start3A_126 : memref<1x32x1024xf32, #tpu.memory_space<hbm>> -> memref<32x1024xf32, #tpu.memory_space<hbm>>
    tpu.enqueue_dma source(%arg4 : memref<32x1024xf32, #tpu.memory_space<vmem>>) target(%dma_start3A_127 : memref<32x1024xf32, #tpu.memory_space<hbm>>) target_semaphore(%arg8 : memref<!tpu.dma_semaphore, #tpu.memory_space<semaphore_mem>>)
    %dma_start3A_128 = arith.constant 1 : i32
    %dma_start3A_129 = arith.constant 0 : i32
    %dma_start3A_130 = tpu.memref_slice %arg3[%dma_start3A_128, %add3A_120, %dma_start3A_129] : memref<4x4096x1024xf32, #tpu.memory_space<hbm>> -> memref<1x32x1024xf32, #tpu.memory_space<hbm>>
    %dma_start3A_131 = tpu.memref_squeeze %dma_start3A_130 : memref<1x32x1024xf32, #tpu.memory_space<hbm>> -> memref<32x1024xf32, #tpu.memory_space<hbm>>
    %dma_start3A_132 = arith.constant 0 : i32
    %dma_start3A_133 = tpu.memref_slice %arg3[%dma_start3A_128, %add3A_120, %dma_start3A_132] : memref<4x4096x1024xf32, #tpu.memory_space<hbm>> -> memref<1x32x1024xf32, #tpu.memory_space<hbm>>
    %dma_start3A_134 = tpu.memref_squeeze %dma_start3A_133 : memref<1x32x1024xf32, #tpu.memory_space<hbm>> -> memref<32x1024xf32, #tpu.memory_space<hbm>>
    tpu.enqueue_dma source(%arg4 : memref<32x1024xf32, #tpu.memory_space<vmem>>) target(%dma_start3A_134 : memref<32x1024xf32, #tpu.memory_space<hbm>>) target_semaphore(%arg8 : memref<!tpu.dma_semaphore, #tpu.memory_space<semaphore_mem>>)
    %dma_start3A_135 = arith.constant 2 : i32
    %dma_start3A_136 = arith.constant 0 : i32
    %dma_start3A_137 = tpu.memref_slice %arg3[%dma_start3A_135, %add3A_120, %dma_start3A_136] : memref<4x4096x1024xf32, #tpu.memory_space<hbm>> -> memref<1x32x1024xf32, #tpu.memory_space<hbm>>
    %dma_start3A_138 = tpu.memref_squeeze %dma_start3A_137 : memref<1x32x1024xf32, #tpu.memory_space<hbm>> -> memref<32x1024xf32, #tpu.memory_space<hbm>>
    %dma_start3A_139 = arith.constant 0 : i32
    %dma_start3A_140 = tpu.memref_slice %arg3[%dma_start3A_135, %add3A_120, %dma_start3A_139] : memref<4x4096x1024xf32, #tpu.memory_space<hbm>> -> memref<1x32x1024xf32, #tpu.memory_space<hbm>>
    %dma_start3A_141 = tpu.memref_squeeze %dma_start3A_140 : memref<1x32x1024xf32, #tpu.memory_space<hbm>> -> memref<32x1024xf32, #tpu.memory_space<hbm>>
    tpu.enqueue_dma source(%arg4 : memref<32x1024xf32, #tpu.memory_space<vmem>>) target(%dma_start3A_141 : memref<32x1024xf32, #tpu.memory_space<hbm>>) target_semaphore(%arg8 : memref<!tpu.dma_semaphore, #tpu.memory_space<semaphore_mem>>)
    %dma_start3A_142 = arith.constant 3 : i32
    %dma_start3A_143 = arith.constant 0 : i32
    %dma_start3A_144 = tpu.memref_slice %arg3[%dma_start3A_142, %add3A_120, %dma_start3A_143] : memref<4x4096x1024xf32, #tpu.memory_space<hbm>> -> memref<1x32x1024xf32, #tpu.memory_space<hbm>>
    %dma_start3A_145 = tpu.memref_squeeze %dma_start3A_144 : memref<1x32x1024xf32, #tpu.memory_space<hbm>> -> memref<32x1024xf32, #tpu.memory_space<hbm>>
    %dma_start3A_146 = arith.constant 0 : i32
    %dma_start3A_147 = tpu.memref_slice %arg3[%dma_start3A_142, %add3A_120, %dma_start3A_146] : memref<4x4096x1024xf32, #tpu.memory_space<hbm>> -> memref<1x32x1024xf32, #tpu.memory_space<hbm>>
    %dma_start3A_148 = tpu.memref_squeeze %dma_start3A_147 : memref<1x32x1024xf32, #tpu.memory_space<hbm>> -> memref<32x1024xf32, #tpu.memory_space<hbm>>
    tpu.enqueue_dma source(%arg4 : memref<32x1024xf32, #tpu.memory_space<vmem>>) target(%dma_start3A_148 : memref<32x1024xf32, #tpu.memory_space<hbm>>) target_semaphore(%arg8 : memref<!tpu.dma_semaphore, #tpu.memory_space<semaphore_mem>>)
    %dma_wait3A_149 = arith.constant 0 : i32
    %dma_wait3A_150 = arith.constant 0 : i32
    %dma_wait3A_151 = tpu.memref_slice %arg3[%dma_wait3A_149, %add3A_52, %dma_wait3A_150] : memref<4x4096x1024xf32, #tpu.memory_space<hbm>> -> memref<1x32x1024xf32, #tpu.memory_space<hbm>>
    %dma_wait3A_152 = tpu.memref_squeeze %dma_wait3A_151 : memref<1x32x1024xf32, #tpu.memory_space<hbm>> -> memref<32x1024xf32, #tpu.memory_space<hbm>>
    %dma_wait3A_153 = arith.constant 0 : i32
    %dma_wait3A_154 = tpu.memref_slice %arg3[%dma_wait3A_149, %add3A_52, %dma_wait3A_153] : memref<4x4096x1024xf32, #tpu.memory_space<hbm>> -> memref<1x32x1024xf32, #tpu.memory_space<hbm>>
    %dma_wait3A_155 = tpu.memref_squeeze %dma_wait3A_154 : memref<1x32x1024xf32, #tpu.memory_space<hbm>> -> memref<32x1024xf32, #tpu.memory_space<hbm>>
    tpu.wait_dma2 semaphore(%arg9 : memref<!tpu.dma_semaphore, #tpu.memory_space<semaphore_mem>>) src(%arg5 : memref<32x1024xf32, #tpu.memory_space<vmem>>) dst(%dma_wait3A_155 : memref<32x1024xf32, #tpu.memory_space<hbm>>)
    %dma_wait3A_156 = arith.constant 1 : i32
    %dma_wait3A_157 = arith.constant 0 : i32
    %dma_wait3A_158 = tpu.memref_slice %arg3[%dma_wait3A_156, %add3A_52, %dma_wait3A_157] : memref<4x4096x1024xf32, #tpu.memory_space<hbm>> -> memref<1x32x1024xf32, #tpu.memory_space<hbm>>
    %dma_wait3A_159 = tpu.memref_squeeze %dma_wait3A_158 : memref<1x32x1024xf32, #tpu.memory_space<hbm>> -> memref<32x1024xf32, #tpu.memory_space<hbm>>
    %dma_wait3A_160 = arith.constant 0 : i32
    %dma_wait3A_161 = tpu.memref_slice %arg3[%dma_wait3A_156, %add3A_52, %dma_wait3A_160] : memref<4x4096x1024xf32, #tpu.memory_space<hbm>> -> memref<1x32x1024xf32, #tpu.memory_space<hbm>>
    %dma_wait3A_162 = tpu.memref_squeeze %dma_wait3A_161 : memref<1x32x1024xf32, #tpu.memory_space<hbm>> -> memref<32x1024xf32, #tpu.memory_space<hbm>>
    tpu.wait_dma2 semaphore(%arg9 : memref<!tpu.dma_semaphore, #tpu.memory_space<semaphore_mem>>) src(%arg5 : memref<32x1024xf32, #tpu.memory_space<vmem>>) dst(%dma_wait3A_162 : memref<32x1024xf32, #tpu.memory_space<hbm>>)
    %dma_wait3A_163 = arith.constant 2 : i32
    %dma_wait3A_164 = arith.constant 0 : i32
    %dma_wait3A_165 = tpu.memref_slice %arg3[%dma_wait3A_163, %add3A_52, %dma_wait3A_164] : memref<4x4096x1024xf32, #tpu.memory_space<hbm>> -> memref<1x32x1024xf32, #tpu.memory_space<hbm>>
    %dma_wait3A_166 = tpu.memref_squeeze %dma_wait3A_165 : memref<1x32x1024xf32, #tpu.memory_space<hbm>> -> memref<32x1024xf32, #tpu.memory_space<hbm>>
    %dma_wait3A_167 = arith.constant 0 : i32
    %dma_wait3A_168 = tpu.memref_slice %arg3[%dma_wait3A_163, %add3A_52, %dma_wait3A_167] : memref<4x4096x1024xf32, #tpu.memory_space<hbm>> -> memref<1x32x1024xf32, #tpu.memory_space<hbm>>
    %dma_wait3A_169 = tpu.memref_squeeze %dma_wait3A_168 : memref<1x32x1024xf32, #tpu.memory_space<hbm>> -> memref<32x1024xf32, #tpu.memory_space<hbm>>
    tpu.wait_dma2 semaphore(%arg9 : memref<!tpu.dma_semaphore, #tpu.memory_space<semaphore_mem>>) src(%arg5 : memref<32x1024xf32, #tpu.memory_space<vmem>>) dst(%dma_wait3A_169 : memref<32x1024xf32, #tpu.memory_space<hbm>>)
    %dma_wait3A_170 = arith.constant 3 : i32
    %dma_wait3A_171 = arith.constant 0 : i32
    %dma_wait3A_172 = tpu.memref_slice %arg3[%dma_wait3A_170, %add3A_52, %dma_wait3A_171] : memref<4x4096x1024xf32, #tpu.memory_space<hbm>> -> memref<1x32x1024xf32, #tpu.memory_space<hbm>>
    %dma_wait3A_173 = tpu.memref_squeeze %dma_wait3A_172 : memref<1x32x1024xf32, #tpu.memory_space<hbm>> -> memref<32x1024xf32, #tpu.memory_space<hbm>>
    %dma_wait3A_174 = arith.constant 0 : i32
    %dma_wait3A_175 = tpu.memref_slice %arg3[%dma_wait3A_170, %add3A_52, %dma_wait3A_174] : memref<4x4096x1024xf32, #tpu.memory_space<hbm>> -> memref<1x32x1024xf32, #tpu.memory_space<hbm>>
    %dma_wait3A_176 = tpu.memref_squeeze %dma_wait3A_175 : memref<1x32x1024xf32, #tpu.memory_space<hbm>> -> memref<32x1024xf32, #tpu.memory_space<hbm>>
    tpu.wait_dma2 semaphore(%arg9 : memref<!tpu.dma_semaphore, #tpu.memory_space<semaphore_mem>>) src(%arg5 : memref<32x1024xf32, #tpu.memory_space<vmem>>) dst(%dma_wait3A_176 : memref<32x1024xf32, #tpu.memory_space<hbm>>)
    %add3A_177 = arith.constant 96 : i32
    %add3A_178 = arith.addi %mul3A_2, %add3A_177 : i32
    %dma_start3A_179 = arith.constant 0 : i32
    %dma_start3A_180 = tpu.memref_slice %arg2[%add3A_178, %dma_start3A_179] : memref<8192x1024xf32, #tpu.memory_space<hbm>> -> memref<32x1024xf32, #tpu.memory_space<hbm>>
    %dma_start3A_181 = arith.constant 0 : i32
    %dma_start3A_182 = tpu.memref_slice %arg2[%add3A_178, %dma_start3A_181] : memref<8192x1024xf32, #tpu.memory_space<hbm>> -> memref<32x1024xf32, #tpu.memory_space<hbm>>
    tpu.enqueue_dma source(%dma_start3A_182 : memref<32x1024xf32, #tpu.memory_space<hbm>>) target(%arg5 : memref<32x1024xf32, #tpu.memory_space<vmem>>) target_semaphore(%arg7 : memref<!tpu.dma_semaphore, #tpu.memory_space<semaphore_mem>>)
    %dma_wait3A_183 = arith.constant 0 : i32
    %dma_wait3A_184 = tpu.memref_slice %arg2[%add3A_178, %dma_wait3A_183] : memref<8192x1024xf32, #tpu.memory_space<hbm>> -> memref<32x1024xf32, #tpu.memory_space<hbm>>
    %dma_wait3A_185 = arith.constant 0 : i32
    %dma_wait3A_186 = tpu.memref_slice %arg2[%add3A_178, %dma_wait3A_185] : memref<8192x1024xf32, #tpu.memory_space<hbm>> -> memref<32x1024xf32, #tpu.memory_space<hbm>>
    tpu.wait_dma2 semaphore(%arg7 : memref<!tpu.dma_semaphore, #tpu.memory_space<semaphore_mem>>) src(%dma_wait3A_186 : memref<32x1024xf32, #tpu.memory_space<hbm>>) dst(%arg5 : memref<32x1024xf32, #tpu.memory_space<vmem>>)
    %add3A_187 = arith.constant 96 : i32
    %add3A_188 = arith.addi %mul3A_2, %add3A_187 : i32
    %dma_start3A_189 = arith.constant 0 : i32
    %dma_start3A_190 = arith.constant 0 : i32
    %dma_start3A_191 = tpu.memref_slice %arg3[%dma_start3A_189, %add3A_188, %dma_start3A_190] : memref<4x4096x1024xf32, #tpu.memory_space<hbm>> -> memref<1x32x1024xf32, #tpu.memory_space<hbm>>
    %dma_start3A_192 = tpu.memref_squeeze %dma_start3A_191 : memref<1x32x1024xf32, #tpu.memory_space<hbm>> -> memref<32x1024xf32, #tpu.memory_space<hbm>>
    %dma_start3A_193 = arith.constant 0 : i32
    %dma_start3A_194 = tpu.memref_slice %arg3[%dma_start3A_189, %add3A_188, %dma_start3A_193] : memref<4x4096x1024xf32, #tpu.memory_space<hbm>> -> memref<1x32x1024xf32, #tpu.memory_space<hbm>>
    %dma_start3A_195 = tpu.memref_squeeze %dma_start3A_194 : memref<1x32x1024xf32, #tpu.memory_space<hbm>> -> memref<32x1024xf32, #tpu.memory_space<hbm>>
    tpu.enqueue_dma source(%arg5 : memref<32x1024xf32, #tpu.memory_space<vmem>>) target(%dma_start3A_195 : memref<32x1024xf32, #tpu.memory_space<hbm>>) target_semaphore(%arg9 : memref<!tpu.dma_semaphore, #tpu.memory_space<semaphore_mem>>)
    %dma_start3A_196 = arith.constant 1 : i32
    %dma_start3A_197 = arith.constant 0 : i32
    %dma_start3A_198 = tpu.memref_slice %arg3[%dma_start3A_196, %add3A_188, %dma_start3A_197] : memref<4x4096x1024xf32, #tpu.memory_space<hbm>> -> memref<1x32x1024xf32, #tpu.memory_space<hbm>>
    %dma_start3A_199 = tpu.memref_squeeze %dma_start3A_198 : memref<1x32x1024xf32, #tpu.memory_space<hbm>> -> memref<32x1024xf32, #tpu.memory_space<hbm>>
    %dma_start3A_200 = arith.constant 0 : i32
    %dma_start3A_201 = tpu.memref_slice %arg3[%dma_start3A_196, %add3A_188, %dma_start3A_200] : memref<4x4096x1024xf32, #tpu.memory_space<hbm>> -> memref<1x32x1024xf32, #tpu.memory_space<hbm>>
    %dma_start3A_202 = tpu.memref_squeeze %dma_start3A_201 : memref<1x32x1024xf32, #tpu.memory_space<hbm>> -> memref<32x1024xf32, #tpu.memory_space<hbm>>
    tpu.enqueue_dma source(%arg5 : memref<32x1024xf32, #tpu.memory_space<vmem>>) target(%dma_start3A_202 : memref<32x1024xf32, #tpu.memory_space<hbm>>) target_semaphore(%arg9 : memref<!tpu.dma_semaphore, #tpu.memory_space<semaphore_mem>>)
    %dma_start3A_203 = arith.constant 2 : i32
    %dma_start3A_204 = arith.constant 0 : i32
    %dma_start3A_205 = tpu.memref_slice %arg3[%dma_start3A_203, %add3A_188, %dma_start3A_204] : memref<4x4096x1024xf32, #tpu.memory_space<hbm>> -> memref<1x32x1024xf32, #tpu.memory_space<hbm>>
    %dma_start3A_206 = tpu.memref_squeeze %dma_start3A_205 : memref<1x32x1024xf32, #tpu.memory_space<hbm>> -> memref<32x1024xf32, #tpu.memory_space<hbm>>
    %dma_start3A_207 = arith.constant 0 : i32
    %dma_start3A_208 = tpu.memref_slice %arg3[%dma_start3A_203, %add3A_188, %dma_start3A_207] : memref<4x4096x1024xf32, #tpu.memory_space<hbm>> -> memref<1x32x1024xf32, #tpu.memory_space<hbm>>
    %dma_start3A_209 = tpu.memref_squeeze %dma_start3A_208 : memref<1x32x1024xf32, #tpu.memory_space<hbm>> -> memref<32x1024xf32, #tpu.memory_space<hbm>>
    tpu.enqueue_dma source(%arg5 : memref<32x1024xf32, #tpu.memory_space<vmem>>) target(%dma_start3A_209 : memref<32x1024xf32, #tpu.memory_space<hbm>>) target_semaphore(%arg9 : memref<!tpu.dma_semaphore, #tpu.memory_space<semaphore_mem>>)
    %dma_start3A_210 = arith.constant 3 : i32
    %dma_start3A_211 = arith.constant 0 : i32
    %dma_start3A_212 = tpu.memref_slice %arg3[%dma_start3A_210, %add3A_188, %dma_start3A_211] : memref<4x4096x1024xf32, #tpu.memory_space<hbm>> -> memref<1x32x1024xf32, #tpu.memory_space<hbm>>
    %dma_start3A_213 = tpu.memref_squeeze %dma_start3A_212 : memref<1x32x1024xf32, #tpu.memory_space<hbm>> -> memref<32x1024xf32, #tpu.memory_space<hbm>>
    %dma_start3A_214 = arith.constant 0 : i32
    %dma_start3A_215 = tpu.memref_slice %arg3[%dma_start3A_210, %add3A_188, %dma_start3A_214] : memref<4x4096x1024xf32, #tpu.memory_space<hbm>> -> memref<1x32x1024xf32, #tpu.memory_space<hbm>>
    %dma_start3A_216 = tpu.memref_squeeze %dma_start3A_215 : memref<1x32x1024xf32, #tpu.memory_space<hbm>> -> memref<32x1024xf32, #tpu.memory_space<hbm>>
    tpu.enqueue_dma source(%arg5 : memref<32x1024xf32, #tpu.memory_space<vmem>>) target(%dma_start3A_216 : memref<32x1024xf32, #tpu.memory_space<hbm>>) target_semaphore(%arg9 : memref<!tpu.dma_semaphore, #tpu.memory_space<semaphore_mem>>)
    %dma_wait3A_217 = arith.constant 0 : i32
    %dma_wait3A_218 = arith.constant 0 : i32
    %dma_wait3A_219 = tpu.memref_slice %arg3[%dma_wait3A_217, %add3A_120, %dma_wait3A_218] : memref<4x4096x1024xf32, #tpu.memory_space<hbm>> -> memref<1x32x1024xf32, #tpu.memory_space<hbm>>
    %dma_wait3A_220 = tpu.memref_squeeze %dma_wait3A_219 : memref<1x32x1024xf32, #tpu.memory_space<hbm>> -> memref<32x1024xf32, #tpu.memory_space<hbm>>
    %dma_wait3A_221 = arith.constant 0 : i32
    %dma_wait3A_222 = tpu.memref_slice %arg3[%dma_wait3A_217, %add3A_120, %dma_wait3A_221] : memref<4x4096x1024xf32, #tpu.memory_space<hbm>> -> memref<1x32x1024xf32, #tpu.memory_space<hbm>>
    %dma_wait3A_223 = tpu.memref_squeeze %dma_wait3A_222 : memref<1x32x1024xf32, #tpu.memory_space<hbm>> -> memref<32x1024xf32, #tpu.memory_space<hbm>>
    tpu.wait_dma2 semaphore(%arg8 : memref<!tpu.dma_semaphore, #tpu.memory_space<semaphore_mem>>) src(%arg4 : memref<32x1024xf32, #tpu.memory_space<vmem>>) dst(%dma_wait3A_223 : memref<32x1024xf32, #tpu.memory_space<hbm>>)
    %dma_wait3A_224 = arith.constant 1 : i32
    %dma_wait3A_225 = arith.constant 0 : i32
    %dma_wait3A_226 = tpu.memref_slice %arg3[%dma_wait3A_224, %add3A_120, %dma_wait3A_225] : memref<4x4096x1024xf32, #tpu.memory_space<hbm>> -> memref<1x32x1024xf32, #tpu.memory_space<hbm>>
    %dma_wait3A_227 = tpu.memref_squeeze %dma_wait3A_226 : memref<1x32x1024xf32, #tpu.memory_space<hbm>> -> memref<32x1024xf32, #tpu.memory_space<hbm>>
    %dma_wait3A_228 = arith.constant 0 : i32
    %dma_wait3A_229 = tpu.memref_slice %arg3[%dma_wait3A_224, %add3A_120, %dma_wait3A_228] : memref<4x4096x1024xf32, #tpu.memory_space<hbm>> -> memref<1x32x1024xf32, #tpu.memory_space<hbm>>
    %dma_wait3A_230 = tpu.memref_squeeze %dma_wait3A_229 : memref<1x32x1024xf32, #tpu.memory_space<hbm>> -> memref<32x1024xf32, #tpu.memory_space<hbm>>
    tpu.wait_dma2 semaphore(%arg8 : memref<!tpu.dma_semaphore, #tpu.memory_space<semaphore_mem>>) src(%arg4 : memref<32x1024xf32, #tpu.memory_space<vmem>>) dst(%dma_wait3A_230 : memref<32x1024xf32, #tpu.memory_space<hbm>>)
    %dma_wait3A_231 = arith.constant 2 : i32
    %dma_wait3A_232 = arith.constant 0 : i32
    %dma_wait3A_233 = tpu.memref_slice %arg3[%dma_wait3A_231, %add3A_120, %dma_wait3A_232] : memref<4x4096x1024xf32, #tpu.memory_space<hbm>> -> memref<1x32x1024xf32, #tpu.memory_space<hbm>>
    %dma_wait3A_234 = tpu.memref_squeeze %dma_wait3A_233 : memref<1x32x1024xf32, #tpu.memory_space<hbm>> -> memref<32x1024xf32, #tpu.memory_space<hbm>>
    %dma_wait3A_235 = arith.constant 0 : i32
    %dma_wait3A_236 = tpu.memref_slice %arg3[%dma_wait3A_231, %add3A_120, %dma_wait3A_235] : memref<4x4096x1024xf32, #tpu.memory_space<hbm>> -> memref<1x32x1024xf32, #tpu.memory_space<hbm>>
    %dma_wait3A_237 = tpu.memref_squeeze %dma_wait3A_236 : memref<1x32x1024xf32, #tpu.memory_space<hbm>> -> memref<32x1024xf32, #tpu.memory_space<hbm>>
    tpu.wait_dma2 semaphore(%arg8 : memref<!tpu.dma_semaphore, #tpu.memory_space<semaphore_mem>>) src(%arg4 : memref<32x1024xf32, #tpu.memory_space<vmem>>) dst(%dma_wait3A_237 : memref<32x1024xf32, #tpu.memory_space<hbm>>)
    %dma_wait3A_238 = arith.constant 3 : i32
    %dma_wait3A_239 = arith.constant 0 : i32
    %dma_wait3A_240 = tpu.memref_slice %arg3[%dma_wait3A_238, %add3A_120, %dma_wait3A_239] : memref<4x4096x1024xf32, #tpu.memory_space<hbm>> -> memref<1x32x1024xf32, #tpu.memory_space<hbm>>
    %dma_wait3A_241 = tpu.memref_squeeze %dma_wait3A_240 : memref<1x32x1024xf32, #tpu.memory_space<hbm>> -> memref<32x1024xf32, #tpu.memory_space<hbm>>
    %dma_wait3A_242 = arith.constant 0 : i32
    %dma_wait3A_243 = tpu.memref_slice %arg3[%dma_wait3A_238, %add3A_120, %dma_wait3A_242] : memref<4x4096x1024xf32, #tpu.memory_space<hbm>> -> memref<1x32x1024xf32, #tpu.memory_space<hbm>>
    %dma_wait3A_244 = tpu.memref_squeeze %dma_wait3A_243 : memref<1x32x1024xf32, #tpu.memory_space<hbm>> -> memref<32x1024xf32, #tpu.memory_space<hbm>>
    tpu.wait_dma2 semaphore(%arg8 : memref<!tpu.dma_semaphore, #tpu.memory_space<semaphore_mem>>) src(%arg4 : memref<32x1024xf32, #tpu.memory_space<vmem>>) dst(%dma_wait3A_244 : memref<32x1024xf32, #tpu.memory_space<hbm>>)
    %dma_wait3A_245 = arith.constant 0 : i32
    %dma_wait3A_246 = arith.constant 0 : i32
    %dma_wait3A_247 = tpu.memref_slice %arg3[%dma_wait3A_245, %add3A_188, %dma_wait3A_246] : memref<4x4096x1024xf32, #tpu.memory_space<hbm>> -> memref<1x32x1024xf32, #tpu.memory_space<hbm>>
    %dma_wait3A_248 = tpu.memref_squeeze %dma_wait3A_247 : memref<1x32x1024xf32, #tpu.memory_space<hbm>> -> memref<32x1024xf32, #tpu.memory_space<hbm>>
    %dma_wait3A_249 = arith.constant 0 : i32
    %dma_wait3A_250 = tpu.memref_slice %arg3[%dma_wait3A_245, %add3A_188, %dma_wait3A_249] : memref<4x4096x1024xf32, #tpu.memory_space<hbm>> -> memref<1x32x1024xf32, #tpu.memory_space<hbm>>
    %dma_wait3A_251 = tpu.memref_squeeze %dma_wait3A_250 : memref<1x32x1024xf32, #tpu.memory_space<hbm>> -> memref<32x1024xf32, #tpu.memory_space<hbm>>
    tpu.wait_dma2 semaphore(%arg9 : memref<!tpu.dma_semaphore, #tpu.memory_space<semaphore_mem>>) src(%arg5 : memref<32x1024xf32, #tpu.memory_space<vmem>>) dst(%dma_wait3A_251 : memref<32x1024xf32, #tpu.memory_space<hbm>>)
    %dma_wait3A_252 = arith.constant 1 : i32
    %dma_wait3A_253 = arith.constant 0 : i32
    %dma_wait3A_254 = tpu.memref_slice %arg3[%dma_wait3A_252, %add3A_188, %dma_wait3A_253] : memref<4x4096x1024xf32, #tpu.memory_space<hbm>> -> memref<1x32x1024xf32, #tpu.memory_space<hbm>>
    %dma_wait3A_255 = tpu.memref_squeeze %dma_wait3A_254 : memref<1x32x1024xf32, #tpu.memory_space<hbm>> -> memref<32x1024xf32, #tpu.memory_space<hbm>>
    %dma_wait3A_256 = arith.constant 0 : i32
    %dma_wait3A_257 = tpu.memref_slice %arg3[%dma_wait3A_252, %add3A_188, %dma_wait3A_256] : memref<4x4096x1024xf32, #tpu.memory_space<hbm>> -> memref<1x32x1024xf32, #tpu.memory_space<hbm>>
    %dma_wait3A_258 = tpu.memref_squeeze %dma_wait3A_257 : memref<1x32x1024xf32, #tpu.memory_space<hbm>> -> memref<32x1024xf32, #tpu.memory_space<hbm>>
    tpu.wait_dma2 semaphore(%arg9 : memref<!tpu.dma_semaphore, #tpu.memory_space<semaphore_mem>>) src(%arg5 : memref<32x1024xf32, #tpu.memory_space<vmem>>) dst(%dma_wait3A_258 : memref<32x1024xf32, #tpu.memory_space<hbm>>)
    %dma_wait3A_259 = arith.constant 2 : i32
    %dma_wait3A_260 = arith.constant 0 : i32
    %dma_wait3A_261 = tpu.memref_slice %arg3[%dma_wait3A_259, %add3A_188, %dma_wait3A_260] : memref<4x4096x1024xf32, #tpu.memory_space<hbm>> -> memref<1x32x1024xf32, #tpu.memory_space<hbm>>
    %dma_wait3A_262 = tpu.memref_squeeze %dma_wait3A_261 : memref<1x32x1024xf32, #tpu.memory_space<hbm>> -> memref<32x1024xf32, #tpu.memory_space<hbm>>
    %dma_wait3A_263 = arith.constant 0 : i32
    %dma_wait3A_264 = tpu.memref_slice %arg3[%dma_wait3A_259, %add3A_188, %dma_wait3A_263] : memref<4x4096x1024xf32, #tpu.memory_space<hbm>> -> memref<1x32x1024xf32, #tpu.memory_space<hbm>>
    %dma_wait3A_265 = tpu.memref_squeeze %dma_wait3A_264 : memref<1x32x1024xf32, #tpu.memory_space<hbm>> -> memref<32x1024xf32, #tpu.memory_space<hbm>>
    tpu.wait_dma2 semaphore(%arg9 : memref<!tpu.dma_semaphore, #tpu.memory_space<semaphore_mem>>) src(%arg5 : memref<32x1024xf32, #tpu.memory_space<vmem>>) dst(%dma_wait3A_265 : memref<32x1024xf32, #tpu.memory_space<hbm>>)
    %dma_wait3A_266 = arith.constant 3 : i32
    %dma_wait3A_267 = arith.constant 0 : i32
    %dma_wait3A_268 = tpu.memref_slice %arg3[%dma_wait3A_266, %add3A_188, %dma_wait3A_267] : memref<4x4096x1024xf32, #tpu.memory_space<hbm>> -> memref<1x32x1024xf32, #tpu.memory_space<hbm>>
    %dma_wait3A_269 = tpu.memref_squeeze %dma_wait3A_268 : memref<1x32x1024xf32, #tpu.memory_space<hbm>> -> memref<32x1024xf32, #tpu.memory_space<hbm>>
    %dma_wait3A_270 = arith.constant 0 : i32
    %dma_wait3A_271 = tpu.memref_slice %arg3[%dma_wait3A_266, %add3A_188, %dma_wait3A_270] : memref<4x4096x1024xf32, #tpu.memory_space<hbm>> -> memref<1x32x1024xf32, #tpu.memory_space<hbm>>
    %dma_wait3A_272 = tpu.memref_squeeze %dma_wait3A_271 : memref<1x32x1024xf32, #tpu.memory_space<hbm>> -> memref<32x1024xf32, #tpu.memory_space<hbm>>
    tpu.wait_dma2 semaphore(%arg9 : memref<!tpu.dma_semaphore, #tpu.memory_space<semaphore_mem>>) src(%arg5 : memref<32x1024xf32, #tpu.memory_space<vmem>>) dst(%dma_wait3A_272 : memref<32x1024xf32, #tpu.memory_space<hbm>>)
    return
  }
}

</mosaic_0001>

<sc_bundles>
// kernel: kernel.3.cloned.1.call-start
scs
__scs_entry_jumppad:
0x0: {  	(pc) =	sbr.rel $0x88, $3  }
0x1: {  	(tag) =	ssettag $0x0;
	lr =	simm.s32 $0x1  }
0x2: {  	[smem:$0x3FA0] =	sst lr;
	_ =	strace $0xD0000000  }
0x3: {  	_ = 	snop  }
0x4: {  	_ = 	snop  }
0x5: {  	_ = 	snop  }
0x6: {  	_ = 	snop  }
0x7: {  	_ = 	snop  }
__scs_overlays_trampoline_lowered:
0x8: {  	[smem:$0x3FAF] =	sst s0  }
0x9: {  	[smem:$0x3FB0] =	sst s1  }
0xa: {  	[smem:$0x3FB1] =	sst s2  }
0xb: {  	[smem:$0x3FB2] =	sst s3  }
0xc: {  	[smem:$0x3FB3] =	sst s4  }
0xd: {  	[smem:$0x3FB4] =	sst s5  }
0xe: {  	[smem:$0x3FB5] =	sst s6  }
0xf: {  	[smem:$0x3FB6] =	sst s7  }
0x10: {  	[smem:$0x3FB7] =	sst s8  }
0x11: {  	[smem:$0x3FB8] =	sst s9;
	s0 =	simm.s32 @!p0 $0x0  }
0x12: {  	s1 =	sld [smem:$0x3F9E];
	s0 =	simm.s32 @p0 $0x1  }
0x13: {  	[smem:$0x3FB9] =	sst s0;
	s0 =	simm.s32 @!p1 $0x0  }
0x14: {  	s2 =	sld [smem:$0x3F9D];
	s0 =	simm.s32 @p1 $0x1  }
0x15: {  	[smem:$0x3FBA] =	sst s0;
	s0 =	simm.s32 @!p2 $0x0  }
0x16: {  	s3 =	sld [smem:$0x3FDB];
	s0 =	simm.s32 @p2 $0x1  }
0x17: {  	s4 =	simm.s32 $0x1BF5;
	[smem:$0x3FBC] =	sst s0  }
0x18: {  	s0 =	sld [smem:$0x3F9F];
	_ =	swait.ge [sflag:s4], $0x0  }
0x19: {  	s7 =	sld [smem:$0x3FA0]  }
0x1a: {  	s8 =	sadd.s32 $0xFFFFE003, lr  }
0x1b: {  	s9 =	sadd.s32 $0xFFFFFEF7, lr;
	s5 =	simm.s32 $0xFFFFFFFF;
	p2 =	slt.u32 s8, $0xFFFFF086  }
0x1c: {  	p1 =	slt.u32 s9, $0xF7A;
	s5 =	simm.s32 @!p2 $0x0  }
0x1d: {  	s5 =	simm.s32 @p1 $0x1;
	p0 =	seq.s32 s7, s2  }
0x1e: {  	s7 =	smul.u32 @!p0 $0xF7A, s2;
	p2 =	seq.s32 @!p0 s5, $0x0  }
0x1f: {  	s9 =	smul.u32 $0xF7A, s1;
	s8 =	simm.s32 @!p0 $0x1BF5;
	p2 =	por !p2, p0  }
0x20: {  	[sflag:s8] =	ssyncset.s32 @!p0 $0xFFFFF086;
	s6 =	sadd.s32 @!p0 s3, s7;
	s7 =	simm.s32 @!p0 $0x108  }
0x21: {  	s3 =	sadd.s32 s3, s9;
	s6 =	sadd.s32 @!p0 $0x88, s6;
	s7 =	simm.s32 @p2 $0x1082  }
0x22: {  	[simem:s7], [sflag:s8] =	dma.local @!p0 [hbm:s6], $0xF7A  }
0x23: {  	s9 =	sor.u32 $0xD0000000, s2;
	s6 =	simm.s32 $0x108;
	_ =	swait.ge @!p0 [sflag:s8], $0x0  }
0x24: {  	s3 =	sadd.s32 $0x88, s3;
	s6 =	simm.s32 @!p1 $0x1082;
	[sflag:s4] =	ssyncset.s32 $0xFFFFF086  }
0x25: {  	[simem:s6], [sflag:s4] =	dma.local [hbm:s3], $0xF7A  }
0x26: {  	[smem:$0x3FA0] =	sst s1;
	(tag) =	ssettag s2;
	_ =	strace s9  }
0x27: {  	s1 =	sld [smem:$0x3FB0]  }
0x28: {  	s2 =	sld [smem:$0x3FB1]  }
0x29: {  	s4 =	sld [smem:$0x3FB3]  }
0x2a: {  	p0 =	seq.s32 s5, $0x0;
	s5 =	sld [smem:$0x3FB4]  }
0x2b: {  	s6 =	sld [smem:$0x3FB5]  }
0x2c: {  	s7 =	sld [smem:$0x3FB6]  }
0x2d: {  	s3 =	simm.s32 $0x108;
	s8 =	sld [smem:$0x3FB7]  }
0x2e: {  	s3 =	simm.s32 @!p0 $0x1082;
	s9 =	sld [smem:$0x3FB8]  }
0x2f: {  	lr =	sadd.s32 s0, s3;
	s0 =	sld [smem:$0x3FAF]  }
0x30: {  	s3 =	sld [smem:$0x3FB2]  }
0x31: {  	[smem:$0x3FBB] =	sst s10  }
0x32: {  	s10 =	sld [smem:$0x3FB9];
	_ =	sdelay $0x3  }
0x33: {  	p0 =	seq.s32 s10, $0x1;
	s10 =	sld [smem:$0x3FBB];
	_ =	sdelay $0x3  }
0x34: {  	[smem:$0x3FBB] =	sst s10  }
0x35: {  	s10 =	sld [smem:$0x3FBA];
	_ =	sdelay $0x3  }
0x36: {  	p1 =	seq.s32 s10, $0x1;
	s10 =	sld [smem:$0x3FBB];
	_ =	sdelay $0x3  }
0x37: {  	[smem:$0x3FBB] =	sst s10  }
0x38: {  	s10 =	sld [smem:$0x3FBC]  }
0x39: {  	_ = 	snop;
	(pc) =	sbr.ind lr, $3  }
0x3a: {  	_ = 	snop  }
0x3b: {  	_ = 	snop  }
0x3c: {  	p2 =	seq.s32 s10, $0x1;
	s10 =	sld [smem:$0x3FBB]  }
0x3d: {  	_ =	shalt  }
0x3e: {  	_ =	shalt  }
0x3f: {  	_ =	shalt  }
0x40: {  	_ =	shalt  }
0x41: {  	_ =	shalt  }
0x42: {  	_ =	shalt  }
0x43: {  	_ =	shalt  }
0x44: {  	_ =	shalt  }
0x45: {  	_ =	shalt  }
0x46: {  	_ =	shalt  }
0x47: {  	_ =	shalt  }
0x48: {  	_ =	shalt  }
0x49: {  	_ =	shalt  }
0x4a: {  	_ =	shalt  }
0x4b: {  	_ =	shalt  }
0x4c: {  	_ =	shalt  }
0x4d: {  	_ =	shalt  }
0x4e: {  	_ =	shalt  }
0x4f: {  	_ =	shalt  }
0x50: {  	_ =	shalt  }
0x51: {  	_ =	shalt  }
0x52: {  	_ =	shalt  }
0x53: {  	_ =	shalt  }
0x54: {  	_ =	shalt  }
0x55: {  	_ =	shalt  }
0x56: {  	_ =	shalt  }
0x57: {  	_ =	shalt  }
0x58: {  	_ =	shalt  }
0x59: {  	_ =	shalt  }
0x5a: {  	_ =	shalt  }
0x5b: {  	_ =	shalt  }
0x5c: {  	_ =	shalt  }
0x5d: {  	_ =	shalt  }
0x5e: {  	_ =	shalt  }
0x5f: {  	_ =	shalt  }
0x60: {  	_ =	shalt  }
0x61: {  	_ =	shalt  }
0x62: {  	_ =	shalt  }
0x63: {  	_ =	shalt  }
0x64: {  	_ =	shalt  }
0x65: {  	_ =	shalt  }
0x66: {  	_ =	shalt  }
0x67: {  	_ =	shalt  }
0x68: {  	_ =	shalt  }
0x69: {  	_ =	shalt  }
0x6a: {  	_ =	shalt  }
0x6b: {  	_ =	shalt  }
0x6c: {  	_ =	shalt  }
0x6d: {  	_ =	shalt  }
0x6e: {  	_ =	shalt  }
0x6f: {  	_ =	shalt  }
0x70: {  	_ =	shalt  }
0x71: {  	_ =	shalt  }
0x72: {  	_ =	shalt  }
0x73: {  	_ =	shalt  }
0x74: {  	_ =	shalt  }
0x75: {  	_ =	shalt  }
0x76: {  	_ =	shalt  }
0x77: {  	_ =	shalt  }
0x78: {  	_ =	shalt  }
0x79: {  	_ =	shalt  }
0x7a: {  	_ =	shalt  }
0x7b: {  	_ =	shalt  }
0x7c: {  	_ =	shalt  }
0x7d: {  	_ =	shalt  }
0x7e: {  	_ =	shalt  }
0x7f: {  	_ =	shalt  }
0x80: {  	_ =	shalt  }
0x81: {  	_ =	shalt  }
0x82: {  	_ =	shalt  }
0x83: {  	_ =	shalt  }
0x84: {  	_ =	shalt  }
0x85: {  	_ =	shalt  }
0x86: {  	_ =	shalt  }
0x87: {  	_ =	shalt  }
.Lfunc_end0:
.L_simem_size_0:
called_computation_lowered:
.L_overlay_start_0:
0x88: {  	s2 =	sld [smem:$0x3FD9]  }
0x89: {  	s3 =	sld [smem:$0x3FFE];
	_ =	sdelay $0x1  }
0x8a: {  	s1 =	srdreg.scid  }
0x8b: {  	s0 =	sand.u32 $0x1, s1  }
0x8c: {  	s18 =	sshll.u32 s0, $0xA;
	s2 =	sadd.s32 s3, s2  }
0x8d: {  	s2 =	sadd.s32 s2, s18  }
0x8e: {  	[smem:$0x3FC7] =	sst s2  }
0x8f: {  	_ = 	snop  }
0x90: {  	s2 =	sld [smem:$0x3FC9]  }
0x91: {  	s19 =	sld [smem:$0x3FD0];
	(tm) =	ssettm $0x1  }
0x92: {  	s4 =	sld [smem:$0x3FFB];
	_ =	sdelay $0x3  }
0x93: {  	_ =	strace s4  }
0x94: {  	s4 =	sld [smem:$0x3FFC];
	_ =	sdelay $0x3  }
0x95: {  	_ =	strace s4  }
0x96: {  	s4 =	sld [smem:$0x3FFD];
	_ =	sdelay $0x3  }
0x97: {  	_ =	strace s4  }
0x98: {  	_ =	strace $0x8FFFFFFF  }
0x99: {  	s20 =	sld [smem:$0x3FDB];
	_ =	sdelay $0x1  }
0x9a: {  	s5 =	simm.s32 $_scs_section_size  }
0x9b: {  	s6 =	simm.s32 $_size__tile_overlayer_lowered;
	s7 =	simm.s32 $_tile_overlayer_lowered  }
0x9c: {  	s23 =	simm.s32 $0x1BFF;
	s22 =	sshll.u32 s7, $0x1;
	s4 =	sadd.s32 s5, s20  }
0x9d: {  	s8 =	simm.s32 $0x0;
	s21 =	sshll.u32 s6, $0x1;
	s6 =	sadd.s32 s22, s4  }
0x9e: {  	[timem:s8], [sflag:s23] =	dma.local [hbm:s6], s21  }
0x9f: {  	_ =	swait.ge [sflag:s23], s21  }
0xa0: {  	s5 =	ssub.s32 $0x0, s21;
	[sflag:s23] =	ssyncset.done $0x0  }
0xa1: {  	[sflag:s23] =	ssyncadd.s32 s5;
	_ =	sdelay $0x1  }
0xa2: {  	s24 =	simm.s32 $0x1B8B  }
0xa3: {  	_ =	swait.ge [sflag:s24], $0x1  }
0xa4: {  	[sflag:s24] =	ssyncset.done $0x0  }
0xa5: {  	s25 =	simm.s32 $0x1B8E;
	[sflag:s24] =	ssyncadd.s32 $0xFFFFFFFF  }
0xa6: {  	s26 =	simm.s32 $execute0_lowered;
	[smem:$0x3FD2] =	sst s25  }
0xa7: {  	s5 =	sshll.u32 s26, $0x1;
	_ =	strace $0x80000046;
	[dreg:$0x1] =	wrdreg $0xFFFFFFFF  }
0xa8: {  	s28 =	simm.s32 $_size_execute0_lowered;
	s4 =	sadd.s32 s4, s5;
	[dreg:$0x0] =	wrdreg $0x0  }
0xa9: {  	s5 =	sshll.u32 s28, $0x1;
	[dreg:$0x2] =	wrdreg s4  }
0xaa: {  	[dreg:$0x3] =	wrdreg s5  }
0xab: {  	[dreg:$0x4] =	wrdreg $0xC0  }
0xac: {  	_ =	task [dreg:s8], $0x5FFFF  }
0xad: {  	[dreg:$0x1] =	wrdreg $0xFFFFFFFF  }
0xae: {  	[dreg:$0x0] =	wrdreg $0x60  }
0xaf: {  	[dreg:$0x2] =	wrdreg s2  }
0xb0: {  	[dreg:$0x3] =	wrdreg s19  }
0xb1: {  	[dreg:$0x4] =	wrdreg $0x9  }
0xb2: {  	_ =	task.clear_ibuf [dreg:s8], $0x5FFFF;
	_ =	strace $0x90000046  }
0xb3: {  	s29 =	simm.s32 $0x9;
	_ =	strace $0x80000048  }
0xb4: {  	_ =	swait.ge [sflag:s29], $0x1  }
0xb5: {  	[sflag:s29] =	ssyncadd.s32 $0xFFFFFFFF  }
0xb6: {  	_ =	strace $0x90000048  }
0xb7: {  	_ =	sfence  }
0xb8: {  	s30 =	sld [smem:$0x0];
	_ =	sdelay $0x2  }
0xb9: {  	s31 =	sshll.u32 s1, $0xD;
	s1 =	sshrl.u32 s1, $0x2  }
0xba: {  	s3 =	sand.u32 $0x4000, s31;
	s1 =	sadd.s32 s1, s30  }
0xbb: {  	s0 =	sor.u32 s3, s0;
	s1 =	sshll.u32 s1, $0x11  }
0xbc: {  	s0 =	sor.u32 s1, s0  }
0xbd: {  	s0 =	sadd.s32 $0x8F2B, s0  }
0xbe: {  	[sflag:s0] =	ssyncadd.remote.s32 $0x1  }
0xbf: {  	_ =	sfence.sel $0xFFFF  }
0xc0: {  	[dreg:$0x0] =	wrdreg $0xFFFFFFFF;
	(pc) =	sbr.abs _section_cstart, $3  }
0xc1: {  	[dreg:$0x1] =	wrdreg $0xFFFFFFFF  }
0xc2: {  	_ =	task.clear_ibuf [dreg:s8], $0x2FFFF;
	_ =	strace $0x9FFFFFFF  }
0xc3: {  	(tm) =	ssettm $0x7FFFFFFF  }
tec
execute0_lowered:
.L_overlay_start_1:
0x0: {  	(tag) =	ssettag $0x1  }
0x1: {  	s23 =	rddreg [dreg:$0x0]  }
0x2: {  	s24 =	rddreg [dreg:$0x1];
	s2 =	srdreg.scid  }
0x3: {  	s0 =	rddreg [dreg:$0x2];
	s1 =	stileid.u32;
	s29 =	sand.u32 $0x1, s2  }
0x4: {  	s2 =	simm.s32 $0x0;
	s3 =	sshll.u32 s1, $0xF;
	s4 =	sshll.u32 s29, $0xE  }
0x5: {  	[smem:$0x7FF] =	sst s2;
	s25 =	sor.u32 s4, s3  }
0x6: {  	_ =	strace $0x80000047;
	s3 =	sadd.s32 s23, s25;
	s12 =	sor.u32 $0x1000, s25  }
0x7: {  	[tilespmem:s2], [sflag:$0x1] =	stream.linear.gather [hbm4b:s3+s2], $0x8000, $0x38;
	[tilespmem:$0x10000] =	vst v63  }
0x8: {  	s5 =	simm.s32 $0x8000;
	s6 =	simm.s32 $0x1;
	s4 =	sadd.s32 s23, s12  }
0x9: {  	[tilespmem:s5], [sflag:$0x2] =	stream.linear.gather [hbm4b:s4+s2], $0x8000, $0x38;
	[tilespmem:$0x10000] =	vst v63  }
0xa: {  	_ =	swait.ge [sflag:s6], $0x8000  }
0xb: {  	[sflag:s6] =	ssyncset.done $0x0  }
0xc: {  	s7 =	sadd.s32 s24, s25;
	[sflag:s6] =	ssyncadd.s32 $0xFFFF8000  }
0xd: {  	[hbm4b:s7+s2] =	stream.linear.scatter [tilespmem:s2], [sflag:$0x3], $0x8000, $0x38;
	[tilespmem:$0x10000] =	vst v63  }
0xe: {  	s8 =	sadd.s32 $0x80000, s7  }
0xf: {  	[hbm4b:s8+s2] =	stream.linear.scatter [tilespmem:s2], [sflag:$0x3], $0x8000, $0x38;
	[tilespmem:$0x10000] =	vst v63  }
0x10: {  	s9 =	sadd.s32 $0x100000, s7  }
0x11: {  	[hbm4b:s9+s2] =	stream.linear.scatter [tilespmem:s2], [sflag:$0x3], $0x8000, $0x38;
	[tilespmem:$0x10000] =	vst v63  }
0x12: {  	s11 =	simm.s32 $0x2;
	s10 =	sadd.s32 $0x180000, s7  }
0x13: {  	[hbm4b:s10+s2] =	stream.linear.scatter [tilespmem:s2], [sflag:$0x3], $0x8000, $0x38;
	[tilespmem:$0x10000] =	vst v63  }
0x14: {  	_ =	swait.ge [sflag:s11], $0x8000  }
0x15: {  	[sflag:s11] =	ssyncset.done $0x0  }
0x16: {  	s12 =	sadd.s32 s24, s12;
	[sflag:s11] =	ssyncadd.s32 $0xFFFF8000  }
0x17: {  	[hbm4b:s12+s2] =	stream.linear.scatter [tilespmem:s5], [sflag:$0x4], $0x8000, $0x38;
	[tilespmem:$0x10000] =	vst v63  }
0x18: {  	s13 =	sadd.s32 $0x81000, s7  }
0x19: {  	[hbm4b:s13+s2] =	stream.linear.scatter [tilespmem:s5], [sflag:$0x4], $0x8000, $0x38;
	[tilespmem:$0x10000] =	vst v63  }
0x1a: {  	s14 =	sadd.s32 $0x101000, s7  }
0x1b: {  	[hbm4b:s14+s2] =	stream.linear.scatter [tilespmem:s5], [sflag:$0x4], $0x8000, $0x38;
	[tilespmem:$0x10000] =	vst v63  }
0x1c: {  	s16 =	simm.s32 $0x3;
	s15 =	sadd.s32 $0x181000, s7  }
0x1d: {  	[hbm4b:s15+s2] =	stream.linear.scatter [tilespmem:s5], [sflag:$0x4], $0x8000, $0x38;
	[tilespmem:$0x10000] =	vst v63  }
0x1e: {  	_ =	swait.ge [sflag:s16], $0x8000  }
0x1f: {  	[sflag:s16] =	ssyncset.done $0x0  }
0x20: {  	[sflag:s16] =	ssyncadd.s32 $0xFFFF8000  }
0x21: {  	_ =	swait.ge [sflag:s16], $0x8000  }
0x22: {  	[sflag:s16] =	ssyncset.done $0x0  }
0x23: {  	[sflag:s16] =	ssyncadd.s32 $0xFFFF8000  }
0x24: {  	_ =	swait.ge [sflag:s16], $0x8000  }
0x25: {  	[sflag:s16] =	ssyncset.done $0x0  }
0x26: {  	[sflag:s16] =	ssyncadd.s32 $0xFFFF8000  }
0x27: {  	_ =	swait.ge [sflag:s16], $0x8000  }
0x28: {  	s18 =	sor.u32 $0x2000, s25;
	[sflag:s16] =	ssyncset.done $0x0  }
0x29: {  	s17 =	sadd.s32 s23, s18;
	[sflag:s16] =	ssyncadd.s32 $0xFFFF8000  }
0x2a: {  	[tilespmem:s2], [sflag:$0x1] =	stream.linear.gather [hbm4b:s17+s2], $0x8000, $0x38;
	[tilespmem:$0x10000] =	vst v63  }
0x2b: {  	_ =	swait.ge [sflag:s6], $0x8000  }
0x2c: {  	[sflag:s6] =	ssyncset.done $0x0  }
0x2d: {  	s18 =	sadd.s32 s24, s18;
	[sflag:s6] =	ssyncadd.s32 $0xFFFF8000  }
0x2e: {  	[hbm4b:s18+s2] =	stream.linear.scatter [tilespmem:s2], [sflag:$0x3], $0x8000, $0x38;
	[tilespmem:$0x10000] =	vst v63  }
0x2f: {  	s19 =	sadd.s32 $0x82000, s7  }
0x30: {  	[hbm4b:s19+s2] =	stream.linear.scatter [tilespmem:s2], [sflag:$0x3], $0x8000, $0x38;
	[tilespmem:$0x10000] =	vst v63  }
0x31: {  	s20 =	sadd.s32 $0x102000, s7  }
0x32: {  	[hbm4b:s20+s2] =	stream.linear.scatter [tilespmem:s2], [sflag:$0x3], $0x8000, $0x38;
	[tilespmem:$0x10000] =	vst v63  }
0x33: {  	s22 =	simm.s32 $0x4;
	s21 =	sadd.s32 $0x182000, s7  }
0x34: {  	[hbm4b:s21+s2] =	stream.linear.scatter [tilespmem:s2], [sflag:$0x3], $0x8000, $0x38;
	[tilespmem:$0x10000] =	vst v63  }
0x35: {  	_ =	swait.ge [sflag:s22], $0x8000  }
0x36: {  	[sflag:s22] =	ssyncset.done $0x0  }
0x37: {  	[sflag:s22] =	ssyncadd.s32 $0xFFFF8000  }
0x38: {  	_ =	swait.ge [sflag:s22], $0x8000  }
0x39: {  	[sflag:s22] =	ssyncset.done $0x0  }
0x3a: {  	[sflag:s22] =	ssyncadd.s32 $0xFFFF8000  }
0x3b: {  	_ =	swait.ge [sflag:s22], $0x8000  }
0x3c: {  	[sflag:s22] =	ssyncset.done $0x0  }
0x3d: {  	[sflag:s22] =	ssyncadd.s32 $0xFFFF8000  }
0x3e: {  	_ =	swait.ge [sflag:s22], $0x8000  }
0x3f: {  	s25 =	sor.u32 $0x3000, s25;
	[sflag:s22] =	ssyncset.done $0x0  }
0x40: {  	s23 =	sadd.s32 s23, s25;
	[sflag:s22] =	ssyncadd.s32 $0xFFFF8000  }
0x41: {  	[tilespmem:s5], [sflag:$0x2] =	stream.linear.gather [hbm4b:s23+s2], $0x8000, $0x38;
	[tilespmem:$0x10000] =	vst v63  }
0x42: {  	_ =	swait.ge [sflag:s11], $0x8000  }
0x43: {  	[sflag:s11] =	ssyncset.done $0x0  }
0x44: {  	s24 =	sadd.s32 s24, s25;
	[sflag:s11] =	ssyncadd.s32 $0xFFFF8000  }
0x45: {  	[hbm4b:s24+s2] =	stream.linear.scatter [tilespmem:s5], [sflag:$0x4], $0x8000, $0x38;
	[tilespmem:$0x10000] =	vst v63  }
0x46: {  	s25 =	sadd.s32 $0x83000, s7  }
0x47: {  	[hbm4b:s25+s2] =	stream.linear.scatter [tilespmem:s5], [sflag:$0x4], $0x8000, $0x38;
	[tilespmem:$0x10000] =	vst v63  }
0x48: {  	s26 =	sadd.s32 $0x103000, s7  }
0x49: {  	[hbm4b:s26+s2] =	stream.linear.scatter [tilespmem:s5], [sflag:$0x4], $0x8000, $0x38;
	[tilespmem:$0x10000] =	vst v63  }
0x4a: {  	s28 =	sadd.s32 $0x183000, s7  }
0x4b: {  	[hbm4b:s28+s2] =	stream.linear.scatter [tilespmem:s5], [sflag:$0x4], $0x8000, $0x38;
	[tilespmem:$0x10000] =	vst v63  }
0x4c: {  	_ =	swait.ge [sflag:s16], $0x8000  }
0x4d: {  	[sflag:s16] =	ssyncset.done $0x0  }
0x4e: {  	[sflag:s16] =	ssyncadd.s32 $0xFFFF8000  }
0x4f: {  	_ =	swait.ge [sflag:s16], $0x8000  }
0x50: {  	[sflag:s16] =	ssyncset.done $0x0  }
0x51: {  	[sflag:s16] =	ssyncadd.s32 $0xFFFF8000  }
0x52: {  	_ =	swait.ge [sflag:s16], $0x8000  }
0x53: {  	[sflag:s16] =	ssyncset.done $0x0  }
0x54: {  	[sflag:s16] =	ssyncadd.s32 $0xFFFF8000  }
0x55: {  	_ =	swait.ge [sflag:s16], $0x8000  }
0x56: {  	[sflag:s16] =	ssyncset.done $0x0  }
0x57: {  	[sflag:s16] =	ssyncadd.s32 $0xFFFF8000  }
0x58: {  	_ =	swait.ge [sflag:s22], $0x8000  }
0x59: {  	s29 =	ssub.s32 $0x2, s29;
	[sflag:s22] =	ssyncset.done $0x0  }
0x5a: {  	s30 =	sshrl.u32 s29, $0x1;
	[sflag:s22] =	ssyncadd.s32 $0xFFFF8000  }
0x5b: {  	s29 =	ssub.s32 s29, s30;
	_ =	swait.ge [sflag:s22], $0x8000  }
0x5c: {  	s29 =	smax.u32 s29, $0x1;
	[sflag:s22] =	ssyncset.done $0x0  }
0x5d: {  	p0 =	sne.s32 s29, $0x1;
	[sflag:s22] =	ssyncadd.s32 $0xFFFF8000  }
.Ltmp0:
0x5e: {  	_ =	swait.ge [sflag:s22], $0x8000;
	(pc) =	sbr.rel @!p0 .LBB2_2-.Ltmp0, $4  }
0x5f: {  	[sflag:s22] =	ssyncset.done $0x0  }
0x60: {  	[sflag:s22] =	ssyncadd.s32 $0xFFFF8000  }
0x61: {  	_ =	swait.ge [sflag:s22], $0x8000  }
0x62: {  	s29 =	sadd.s32 $0xFFFFFFFF, s29;
	[sflag:s22] =	ssyncset.done $0x0  }
.LBB2_1:
0x63: {  	p0 =	sne.s32 s29, $0x1;
	s29 =	sadd.s32 $0xFFFFFFFF, s29;
	[sflag:s22] =	ssyncadd.s32 $0xFFFF8000  }
0x64: {  	[tilespmem:s2], [sflag:$0x1] =	stream.linear.gather [hbm4b:s3+s2], $0x8000, $0x38;
	[tilespmem:$0x10000] =	vst v63  }
0x65: {  	_ = 	snop  }
0x66: {  	[tilespmem:s5], [sflag:$0x2] =	stream.linear.gather [hbm4b:s4+s2], $0x8000, $0x38;
	[tilespmem:$0x10000] =	vst v63  }
0x67: {  	_ =	swait.ge [sflag:s6], $0x8000  }
0x68: {  	[sflag:s6] =	ssyncset.done $0x0  }
0x69: {  	[sflag:s6] =	ssyncadd.s32 $0xFFFF8000  }
0x6a: {  	[hbm4b:s7+s2] =	stream.linear.scatter [tilespmem:s2], [sflag:$0x3], $0x8000, $0x38;
	[tilespmem:$0x10000] =	vst v63  }
0x6b: {  	_ = 	snop  }
0x6c: {  	[hbm4b:s8+s2] =	stream.linear.scatter [tilespmem:s2], [sflag:$0x3], $0x8000, $0x38;
	[tilespmem:$0x10000] =	vst v63  }
0x6d: {  	_ = 	snop  }
0x6e: {  	[hbm4b:s9+s2] =	stream.linear.scatter [tilespmem:s2], [sflag:$0x3], $0x8000, $0x38;
	[tilespmem:$0x10000] =	vst v63  }
0x6f: {  	_ = 	snop  }
0x70: {  	[hbm4b:s10+s2] =	stream.linear.scatter [tilespmem:s2], [sflag:$0x3], $0x8000, $0x38;
	[tilespmem:$0x10000] =	vst v63  }
0x71: {  	_ =	swait.ge [sflag:s11], $0x8000  }
0x72: {  	[sflag:s11] =	ssyncset.done $0x0  }
0x73: {  	[sflag:s11] =	ssyncadd.s32 $0xFFFF8000  }
0x74: {  	[hbm4b:s12+s2] =	stream.linear.scatter [tilespmem:s5], [sflag:$0x4], $0x8000, $0x38;
	[tilespmem:$0x10000] =	vst v63  }
0x75: {  	_ = 	snop  }
0x76: {  	[hbm4b:s13+s2] =	stream.linear.scatter [tilespmem:s5], [sflag:$0x4], $0x8000, $0x38;
	[tilespmem:$0x10000] =	vst v63  }
0x77: {  	_ = 	snop  }
0x78: {  	[hbm4b:s14+s2] =	stream.linear.scatter [tilespmem:s5], [sflag:$0x4], $0x8000, $0x38;
	[tilespmem:$0x10000] =	vst v63  }
0x79: {  	_ = 	snop  }
0x7a: {  	[hbm4b:s15+s2] =	stream.linear.scatter [tilespmem:s5], [sflag:$0x4], $0x8000, $0x38;
	[tilespmem:$0x10000] =	vst v63  }
0x7b: {  	_ =	swait.ge [sflag:s16], $0x8000  }
0x7c: {  	[sflag:s16] =	ssyncset.done $0x0  }
0x7d: {  	[sflag:s16] =	ssyncadd.s32 $0xFFFF8000  }
0x7e: {  	_ =	swait.ge [sflag:s16], $0x8000  }
0x7f: {  	[sflag:s16] =	ssyncset.done $0x0  }
0x80: {  	[sflag:s16] =	ssyncadd.s32 $0xFFFF8000  }
0x81: {  	_ =	swait.ge [sflag:s16], $0x8000  }
0x82: {  	[sflag:s16] =	ssyncset.done $0x0  }
0x83: {  	[sflag:s16] =	ssyncadd.s32 $0xFFFF8000  }
0x84: {  	_ =	swait.ge [sflag:s16], $0x8000  }
0x85: {  	[sflag:s16] =	ssyncset.done $0x0  }
0x86: {  	[sflag:s16] =	ssyncadd.s32 $0xFFFF8000  }
0x87: {  	[tilespmem:s2], [sflag:$0x1] =	stream.linear.gather [hbm4b:s17+s2], $0x8000, $0x38;
	[tilespmem:$0x10000] =	vst v63  }
0x88: {  	_ =	swait.ge [sflag:s6], $0x8000  }
0x89: {  	[sflag:s6] =	ssyncset.done $0x0  }
0x8a: {  	[sflag:s6] =	ssyncadd.s32 $0xFFFF8000  }
0x8b: {  	[hbm4b:s18+s2] =	stream.linear.scatter [tilespmem:s2], [sflag:$0x3], $0x8000, $0x38;
	[tilespmem:$0x10000] =	vst v63  }
0x8c: {  	_ = 	snop  }
0x8d: {  	[hbm4b:s19+s2] =	stream.linear.scatter [tilespmem:s2], [sflag:$0x3], $0x8000, $0x38;
	[tilespmem:$0x10000] =	vst v63  }
0x8e: {  	_ = 	snop  }
0x8f: {  	[hbm4b:s20+s2] =	stream.linear.scatter [tilespmem:s2], [sflag:$0x3], $0x8000, $0x38;
	[tilespmem:$0x10000] =	vst v63  }
0x90: {  	_ = 	snop  }
0x91: {  	[hbm4b:s21+s2] =	stream.linear.scatter [tilespmem:s2], [sflag:$0x3], $0x8000, $0x38;
	[tilespmem:$0x10000] =	vst v63  }
0x92: {  	_ =	swait.ge [sflag:s22], $0x8000  }
0x93: {  	[sflag:s22] =	ssyncset.done $0x0  }
0x94: {  	[sflag:s22] =	ssyncadd.s32 $0xFFFF8000  }
0x95: {  	_ =	swait.ge [sflag:s22], $0x8000  }
0x96: {  	[sflag:s22] =	ssyncset.done $0x0  }
0x97: {  	[sflag:s22] =	ssyncadd.s32 $0xFFFF8000  }
0x98: {  	_ =	swait.ge [sflag:s22], $0x8000  }
0x99: {  	[sflag:s22] =	ssyncset.done $0x0  }
0x9a: {  	[sflag:s22] =	ssyncadd.s32 $0xFFFF8000  }
0x9b: {  	_ =	swait.ge [sflag:s22], $0x8000  }
0x9c: {  	[sflag:s22] =	ssyncset.done $0x0  }
0x9d: {  	[sflag:s22] =	ssyncadd.s32 $0xFFFF8000  }
0x9e: {  	[tilespmem:s5], [sflag:$0x2] =	stream.linear.gather [hbm4b:s23+s2], $0x8000, $0x38;
	[tilespmem:$0x10000] =	vst v63  }
0x9f: {  	_ =	swait.ge [sflag:s11], $0x8000  }
0xa0: {  	[sflag:s11] =	ssyncset.done $0x0  }
0xa1: {  	[sflag:s11] =	ssyncadd.s32 $0xFFFF8000  }
0xa2: {  	[hbm4b:s24+s2] =	stream.linear.scatter [tilespmem:s5], [sflag:$0x4], $0x8000, $0x38;
	[tilespmem:$0x10000] =	vst v63  }
0xa3: {  	_ = 	snop  }
0xa4: {  	[hbm4b:s25+s2] =	stream.linear.scatter [tilespmem:s5], [sflag:$0x4], $0x8000, $0x38;
	[tilespmem:$0x10000] =	vst v63  }
0xa5: {  	_ = 	snop  }
0xa6: {  	[hbm4b:s26+s2] =	stream.linear.scatter [tilespmem:s5], [sflag:$0x4], $0x8000, $0x38;
	[tilespmem:$0x10000] =	vst v63  }
0xa7: {  	_ = 	snop  }
0xa8: {  	[hbm4b:s28+s2] =	stream.linear.scatter [tilespmem:s5], [sflag:$0x4], $0x8000, $0x38;
	[tilespmem:$0x10000] =	vst v63  }
0xa9: {  	_ =	swait.ge [sflag:s16], $0x8000  }
0xaa: {  	[sflag:s16] =	ssyncset.done $0x0  }
0xab: {  	[sflag:s16] =	ssyncadd.s32 $0xFFFF8000  }
0xac: {  	_ =	swait.ge [sflag:s16], $0x8000  }
0xad: {  	[sflag:s16] =	ssyncset.done $0x0  }
0xae: {  	[sflag:s16] =	ssyncadd.s32 $0xFFFF8000  }
0xaf: {  	_ =	swait.ge [sflag:s16], $0x8000  }
0xb0: {  	[sflag:s16] =	ssyncset.done $0x0  }
0xb1: {  	[sflag:s16] =	ssyncadd.s32 $0xFFFF8000  }
0xb2: {  	_ =	swait.ge [sflag:s16], $0x8000  }
0xb3: {  	[sflag:s16] =	ssyncset.done $0x0  }
0xb4: {  	[sflag:s16] =	ssyncadd.s32 $0xFFFF8000  }
0xb5: {  	_ =	swait.ge [sflag:s22], $0x8000  }
0xb6: {  	[sflag:s22] =	ssyncset.done $0x0  }
0xb7: {  	[sflag:s22] =	ssyncadd.s32 $0xFFFF8000  }
0xb8: {  	_ =	swait.ge [sflag:s22], $0x8000  }
0xb9: {  	[sflag:s22] =	ssyncset.done $0x0  }
0xba: {  	[sflag:s22] =	ssyncadd.s32 $0xFFFF8000  }
.Ltmp1:
0xbb: {  	_ =	swait.ge [sflag:s22], $0x8000;
	(pc) =	sbr.rel @p0 .LBB2_1-.Ltmp1, $4  }
0xbc: {  	[sflag:s22] =	ssyncset.done $0x0  }
0xbd: {  	[sflag:s22] =	ssyncadd.s32 $0xFFFF8000  }
0xbe: {  	_ =	swait.ge [sflag:s22], $0x8000  }
0xbf: {  	[sflag:s22] =	ssyncset.done $0x0  }
.LBB2_2:
0xc0: {  	[sflag:s22] =	ssyncadd.s32 $0xFFFF8000  }
0xc1: {  	_ =	sfence.sel $0x180000  }
0xc2: {  	[bflag:$0x0] =	sbarrier.arrive $0xFFFF  }
0xc3: {  	p0 =	sne.s32 s1, $0x0;
	_ =	strace $0x90000047  }
0xc4: {  	s0 =	sadd.s32 @!p0 $0x100000, s0;
	[bflag:$0x2] =	sbarrier.arrive $0xFFFF  }
0xc5: {  	[sflag:s0] =	ssyncadd.tile.s32 @!p0 $0x1;
	_ =	shalt  }
.Lfunc_end2:
_tile_overlayer_lowered:
.L_overlay_start_2:
0xc6: {  	(tag) =	ssettag $0x2  }
0xc7: {  	s0 =	rddreg [dreg:$0x0];
	s2 =	stileid.u32  }
0xc8: {  	s1 =	rddreg [dreg:$0x1];
	p0 =	sne.s32 s2, $0x0  }
0xc9: {  	s3 =	rddreg [dreg:$0x2];
	[bflag:$0x3] =	sbarrier.arrive $0xFFFF;
	s2 =	simm.s32 @!p0 $0x1C05  }
0xca: {  	[timem:s3], [sflag:s2] =	dma.local @!p0 [hbm:s0], s1  }
0xcb: {  	s0 =	simm.s32 @!p0 $0x5  }
0xcc: {  	_ =	swait.ge @!p0 [sflag:s0], s1  }
0xcd: {  	s1 =	ssub.s32 @!p0 $0x0, s1;
	[sflag:s0] =	ssyncset.done @!p0 $0x0  }
0xce: {  	[sflag:s0] =	ssyncadd.s32 @!p0 s1  }
0xcf: {  	[bflag:$0x3] =	sbarrier.arrive $0xFFFF  }
0xd0: {  	_ =	shalt  }

</sc_bundles>
